<compile_context>
chip_gen: v7x
topology: tpu7x:2x2x1
jax: 0.10.2.dev20260603
libtpu: 0.0.44.dev20260713+nightly
codegen_flags: <defaults>
</compile_context>

<pallas_src>
import functools

import jax
import jax.numpy as jnp
from jax import lax
from jax.experimental import pallas as pl
from jax.experimental.pallas import tpu as pltpu
from jax.experimental.pallas import tpu_sc as plsc

_NC = 2
_NS = 16
_NW = _NC * _NS

_N = 10000
_E = 320000
_D = 128
_H = 128
_Q = 100000

_KE = 80
_EW = _E // _NW
_CE = -(-_EW // _KE)
_EWP = _CE * _KE
_KD = 80
_CD = _E // _NS // _KD
_QP = 102400
_KQ = 128
_CQ = _QP // _NW // _KQ


def _sc_mesh():
    return plsc.VectorSubcoreMesh(core_axis_name="c", subcore_axis_name="s")


_NDEG = 20480
_NAGG = 10240


def _sc_degrees(idx4, zrows, ones_k):
    rpt = _NAGG // _NS

    @functools.partial(
        pl.kernel,
        mesh=_sc_mesh(),
        out_type=jax.ShapeDtypeStruct((_NC * _NAGG, _D), jnp.float32),
        scratch_types=[
            pltpu.VMEM_SHARED((_NAGG, _D), jnp.float32),
            pltpu.VMEM((_CD, _KD), jnp.int32),
            pltpu.VMEM((_KD, _D), jnp.float32),
        ],
    )
    def deg_kernel(idx_hbm, z_hbm, ones_hbm, out_hbm, deg_sh, idx_v, ones_v):
        c = lax.axis_index("c")
        s = lax.axis_index("s")
        base = s * rpt
        pltpu.sync_copy(z_hbm, deg_sh.at[pl.ds(base, rpt)])
        pltpu.sync_copy(idx_hbm.at[c, s], idx_v)
        pltpu.sync_copy(ones_hbm, ones_v)
        plsc.subcore_barrier()

        @pl.loop(0, _CD)
        def _(j):
            pltpu.sync_copy(ones_v, deg_sh.at[idx_v.at[j]], add=True)

        plsc.subcore_barrier()
        pltpu.sync_copy(deg_sh.at[pl.ds(base, rpt)],
                        out_hbm.at[pl.ds(c * _NAGG + base, rpt)])

    return deg_kernel(idx4, zrows, ones_k)


def _sc_edge_agg(hs, src3, dst3, zrows):
    rpt = _NAGG // _NS

    @functools.partial(
        pl.kernel,
        mesh=_sc_mesh(),
        out_type=jax.ShapeDtypeStruct((_NC * _NAGG, _D), jnp.float32),
        scratch_types=[
            pltpu.VMEM_SHARED((_NAGG, _D), jnp.float32),
            pltpu.VMEM((_CE, _KE), jnp.int32),
            pltpu.VMEM((_CE, _KE), jnp.int32),
            pltpu.VMEM((_KE, _D), jnp.float32),
            pltpu.SemaphoreType.DMA,
        ],
    )
    def agg_kernel(hs_hbm, src_hbm, dst_hbm, z_hbm, out_hbm,
                   agg_sh, src_v, dst_v, rows_v, gsem):
        c = lax.axis_index("c")
        s = lax.axis_index("s")
        wid = s * _NC + c
        base = s * rpt
        pltpu.sync_copy(z_hbm, agg_sh.at[pl.ds(base, rpt)])
        pltpu.sync_copy(src_hbm.at[wid], src_v)
        pltpu.sync_copy(dst_hbm.at[wid], dst_v)
        plsc.subcore_barrier()

        @pl.loop(0, _CE)
        def _(j):
            pltpu.async_copy(hs_hbm.at[src_v.at[j]], rows_v, gsem).wait()
            pltpu.sync_copy(rows_v, agg_sh.at[dst_v.at[j]], add=True)

        plsc.subcore_barrier()
        pltpu.sync_copy(agg_sh.at[pl.ds(base, rpt)],
                        out_hbm.at[pl.ds(c * _NAGG + base, rpt)])

    return agg_kernel(hs, src3, dst3, zrows)


def _sc_decode_gather(tbl, u3, v3):
    per_w = _CQ * _KQ

    @functools.partial(
        pl.kernel,
        mesh=_sc_mesh(),
        out_type=(jax.ShapeDtypeStruct((_QP, _D), jnp.float32),
                  jax.ShapeDtypeStruct((_QP, _D), jnp.float32)),
        scratch_types=[
            pltpu.VMEM((_CQ, _KQ), jnp.int32),
            pltpu.VMEM((_CQ, _KQ), jnp.int32),
            pltpu.VMEM((_KQ, _D), jnp.float32),
            pltpu.VMEM((_KQ, _D), jnp.float32),
            pltpu.VMEM((_KQ, _D), jnp.float32),
            pltpu.VMEM((_KQ, _D), jnp.float32),
            pltpu.SemaphoreType.DMA,
            pltpu.SemaphoreType.DMA,
            pltpu.SemaphoreType.DMA,
            pltpu.SemaphoreType.DMA,
        ],
    )
    def dec_kernel(t_hbm, u_hbm, v_hbm, gu_hbm, gv_hbm,
                   u_v, v_v, ru_a, rv_a, ru_b, rv_b,
                   semu_a, semv_a, semu_b, semv_b):
        c = lax.axis_index("c")
        s = lax.axis_index("s")
        wid = s * _NC + c
        qbase = wid * per_w
        pltpu.sync_copy(u_hbm.at[wid], u_v)
        pltpu.sync_copy(v_hbm.at[wid], v_v)

        pltpu.async_copy(t_hbm.at[u_v.at[0]], ru_a, semu_a)
        pltpu.async_copy(t_hbm.at[v_v.at[0]], rv_a, semv_a)

        @pl.loop(0, _CQ // 2)
        def _(h):
            j = h * 2
            pltpu.make_async_copy(t_hbm.at[u_v.at[j]], ru_a, semu_a).wait()
            pltpu.make_async_copy(t_hbm.at[v_v.at[j]], rv_a, semv_a).wait()
            pltpu.async_copy(t_hbm.at[u_v.at[j + 1]], ru_b, semu_b)
            pltpu.async_copy(t_hbm.at[v_v.at[j + 1]], rv_b, semv_b)
            pltpu.sync_copy(ru_a, gu_hbm.at[pl.ds(qbase + j * _KQ, _KQ)])
            pltpu.sync_copy(rv_a, gv_hbm.at[pl.ds(qbase + j * _KQ, _KQ)])
            pltpu.make_async_copy(t_hbm.at[u_v.at[j + 1]], ru_b,
                                  semu_b).wait()
            pltpu.make_async_copy(t_hbm.at[v_v.at[j + 1]], rv_b,
                                  semv_b).wait()

            @pl.when(j + 2 < _CQ)
            def _():
                pltpu.async_copy(t_hbm.at[u_v.at[j + 2]], ru_a, semu_a)
                pltpu.async_copy(t_hbm.at[v_v.at[j + 2]], rv_a, semv_a)

            pltpu.sync_copy(ru_b,
                            gu_hbm.at[pl.ds(qbase + (j + 1) * _KQ, _KQ)])
            pltpu.sync_copy(rv_b,
                            gv_hbm.at[pl.ds(qbase + (j + 1) * _KQ, _KQ)])

        if _CQ % 2:
            j = _CQ - 1
            pltpu.make_async_copy(t_hbm.at[u_v.at[j]], ru_a, semu_a).wait()
            pltpu.make_async_copy(t_hbm.at[v_v.at[j]], rv_a, semv_a).wait()
            pltpu.sync_copy(ru_a, gu_hbm.at[pl.ds(qbase + j * _KQ, _KQ)])
            pltpu.sync_copy(rv_a, gv_hbm.at[pl.ds(qbase + j * _KQ, _KQ)])

    return dec_kernel(tbl, u3, v3)


_R = 400
_NB = _N // _R


def _norm_from(deg_blk):
    return lax.rsqrt(jnp.maximum(deg_blk[0, :, 0:1], 1.0))


def _prep_body(x_ref, dego_ref, o_ref):
    o_ref[...] = x_ref[...] * _norm_from(dego_ref[...])


def _tc_prep(x, degp):
    return pl.pallas_call(
        _prep_body,
        grid=(_NB,),
        in_specs=[pl.BlockSpec((_R, _D), lambda i: (i, 0)),
                  pl.BlockSpec((1, _R, _D), lambda i: (0, i, 0))],
        out_specs=pl.BlockSpec((_R, _D), lambda i: (i, 0)),
        out_shape=jax.ShapeDtypeStruct((_N, _D), jnp.float32),
    )(x, degp)


def _mid_body(p_ref, degi_ref, dego_ref, w_ref, b_ref, o_ref):
    agg = (p_ref[0] + p_ref[1]) * _norm_from(degi_ref[...])
    h = jnp.maximum(
        jnp.dot(agg, w_ref[...], preferred_element_type=jnp.float32)
        + b_ref[...], 0.0)
    o_ref[...] = h * _norm_from(dego_ref[...])


def _tc_mid(parts, degp, w1, b1):
    return pl.pallas_call(
        _mid_body,
        grid=(_NB,),
        in_specs=[pl.BlockSpec((_NC, _R, _D), lambda i: (0, i, 0)),
                  pl.BlockSpec((1, _R, _D), lambda i: (1, i, 0)),
                  pl.BlockSpec((1, _R, _D), lambda i: (0, i, 0)),
                  pl.BlockSpec((_D, _H), lambda i: (0, 0)),
                  pl.BlockSpec((1, _H), lambda i: (0, 0))],
        out_specs=pl.BlockSpec((_R, _D), lambda i: (i, 0)),
        out_shape=jax.ShapeDtypeStruct((_N, _D), jnp.float32),
    )(parts, degp, degp, w1, b1)


def _fin_body(p_ref, degi_ref, w2_ref, b2_ref, wa_ref, wb_ref, bc1_ref, t_ref):
    agg = (p_ref[0] + p_ref[1]) * _norm_from(degi_ref[...])
    z = (jnp.dot(agg, w2_ref[...], preferred_element_type=jnp.float32)
         + b2_ref[...])
    t_ref[0] = jnp.dot(z, wa_ref[...], preferred_element_type=jnp.float32)
    t_ref[1] = (jnp.dot(z, wb_ref[...], preferred_element_type=jnp.float32)
                + bc1_ref[...])


def _tc_final(parts, degp, w2, b2, wc1a, wc1b, bc1):
    return pl.pallas_call(
        _fin_body,
        grid=(_NB,),
        in_specs=[pl.BlockSpec((_NC, _R, _D), lambda i: (0, i, 0)),
                  pl.BlockSpec((1, _R, _D), lambda i: (1, i, 0)),
                  pl.BlockSpec((_D, _H), lambda i: (0, 0)),
                  pl.BlockSpec((1, _H), lambda i: (0, 0)),
                  pl.BlockSpec((_H, _H), lambda i: (0, 0)),
                  pl.BlockSpec((_H, _H), lambda i: (0, 0)),
                  pl.BlockSpec((1, _H), lambda i: (0, 0))],
        out_specs=pl.BlockSpec((2, _R, _D), lambda i: (0, i, 0)),
        out_shape=jax.ShapeDtypeStruct((2, _N, _D), jnp.float32),
    )(parts, degp, w2, b2, wc1a, wc1b, bc1)


_RQ = 2048


def _dec_body(gu_ref, gv_ref, w_ref, b_ref, o_ref):
    g = jnp.maximum(gu_ref[...] + gv_ref[...], 0.0)
    o_ref[...] = (jnp.sum(g * w_ref[...], axis=1, keepdims=True)
                  + b_ref[...])


def _tc_decode(gu, gv, wc2t, bc2):
    return pl.pallas_call(
        _dec_body,
        grid=(_QP // _RQ,),
        in_specs=[pl.BlockSpec((_RQ, _D), lambda i: (i, 0)),
                  pl.BlockSpec((_RQ, _D), lambda i: (i, 0)),
                  pl.BlockSpec((1, _D), lambda i: (0, 0)),
                  pl.BlockSpec((1, 1), lambda i: (0, 0))],
        out_specs=pl.BlockSpec((_RQ, 1), lambda i: (i, 0)),
        out_shape=jax.ShapeDtypeStruct((_QP, 1), jnp.float32),
    )(gu, gv, wc2t, bc2)


def kernel(x, edge_index, u, v, W1, b1, W2, b2, Wc1, bc1, Wc2, bc2):
    src = edge_index[0].astype(jnp.int32)
    dst = edge_index[1].astype(jnp.int32)

    didx = jnp.stack([src.reshape(_NS, _CD, _KD),
                      dst.reshape(_NS, _CD, _KD)])
    pad = _EWP - _EW
    src3 = jnp.concatenate(
        [src.reshape(_NW, _EW),
         jnp.full((_NW, pad), _N, jnp.int32)], axis=1
    ).reshape(_NW, _CE, _KE)
    dst3 = jnp.concatenate(
        [dst.reshape(_NW, _EW),
         jnp.full((_NW, pad), _NAGG - 8, jnp.int32)], axis=1
    ).reshape(_NW, _CE, _KE)
    u3 = jnp.pad(u.astype(jnp.int32), (0, _QP - _Q)).reshape(_NW, _CQ, _KQ)
    v3 = jnp.pad(v.astype(jnp.int32) + _N, (0, _QP - _Q),
                 constant_values=_N).reshape(_NW, _CQ, _KQ)

    ones_k = jnp.ones((_KD, _D), jnp.float32)
    zagg = jnp.zeros((_NAGG // _NS, _D), jnp.float32)

    degp = _sc_degrees(didx, zagg, ones_k).reshape(_NC, _NAGG, _D)

    zpad = jnp.zeros((16, _D), jnp.float32)
    hs1 = jnp.concatenate([_tc_prep(x, degp), zpad])
    parts1 = _sc_edge_agg(hs1, src3, dst3, zagg).reshape(_NC, _NAGG, _D)
    hs2 = jnp.concatenate([_tc_mid(parts1, degp, W1, b1.reshape(1, _H)), zpad])
    parts2 = _sc_edge_agg(hs2, src3, dst3, zagg).reshape(_NC, _NAGG, _D)
    tbl = _tc_final(parts2, degp, W2, b2.reshape(1, _H),
                    Wc1[:_H], Wc1[_H:], bc1.reshape(1, _H)).reshape(2 * _N, _D)

    gu, gv = _sc_decode_gather(tbl, u3, v3)
    out = _tc_decode(gu, gv, Wc2.reshape(1, _H), bc2.reshape(1, 1))
    return out.reshape(_QP)[:_Q]

# --- scband reference (transcript-rebuilt; emitter-appended) ---
"""Pipeline reference for scband-gnn-82008105550320 (READ-ONLY COPY).

The authoritative reference and input builder live on the scoring server;
editing this copy changes nothing except your own understanding.
"""

import jax, jax.numpy as jnp
import numpy as np

N = 10000
E = 320000
D = 128
H = 128
Q = 100000


def setup_inputs(seed: int = 0) -> dict:
    key = jax.random.key(seed)
    ks = jax.random.split(key, 12)
    x = jax.random.normal(ks[0], (N, D), dtype=jnp.float32)
    edge_index = jax.random.randint(ks[1], (2, E), 0, N)
    u = jax.random.randint(ks[2], (Q,), 0, N)
    v = jax.random.randint(ks[3], (Q,), 0, N)
    s = 0.05
    W1 = jax.random.normal(ks[4], (D, H), dtype=jnp.float32) * s
    b1 = jnp.zeros((H,), dtype=jnp.float32)
    W2 = jax.random.normal(ks[5], (H, H), dtype=jnp.float32) * s
    b2 = jnp.zeros((H,), dtype=jnp.float32)
    Wc1 = jax.random.normal(ks[6], (2 * H, H), dtype=jnp.float32) * s
    bc1 = jnp.zeros((H,), dtype=jnp.float32)
    Wc2 = jax.random.normal(ks[7], (H, 1), dtype=jnp.float32) * s
    bc2 = jnp.zeros((1,), dtype=jnp.float32)
    return {"x": x, "edge_index": edge_index, "u": u, "v": v,
            "W1": W1, "b1": b1, "W2": W2, "b2": b2,
            "Wc1": Wc1, "bc1": bc1, "Wc2": Wc2, "bc2": bc2}


def _graph_conv(h, src, dst, W, b):
    # DGL GraphConv with norm='both':
    # out_dst = ( sum_{(s->dst)} h_s * d_out(s)^{-1/2} ) * d_in(dst)^{-1/2} @ W + b
    n = h.shape[0]
    ones = jnp.ones((src.shape[0],), dtype=jnp.float32)
    deg_out = jnp.zeros((n,), dtype=jnp.float32).at[src].add(ones)
    deg_in = jnp.zeros((n,), dtype=jnp.float32).at[dst].add(ones)
    norm_src = jnp.power(jnp.maximum(deg_out, 1.0), -0.5)
    norm_dst = jnp.power(jnp.maximum(deg_in, 1.0), -0.5)
    hs = h * norm_src[:, None]
    msg = jnp.take(hs, src, axis=0)
    agg = jnp.zeros((n, h.shape[1]), dtype=h.dtype).at[dst].add(msg)
    agg = agg * norm_dst[:, None]
    return agg @ W + b


def reference(x, edge_index, u, v, W1, b1, W2, b2, Wc1, bc1, Wc2, bc2):
    src = edge_index[0]
    dst = edge_index[1]
    h = _graph_conv(x, src, dst, W1, b1)
    h = jax.nn.relu(h)
    z = _graph_conv(h, src, dst, W2, b2)
    z_uv = jnp.concatenate([jnp.take(z, u, axis=0), jnp.take(z, v, axis=0)], axis=1)
    hdec = jax.nn.relu(z_uv @ Wc1 + bc1)
    out = hdec @ Wc2 + bc2
    return out.squeeze(-1)

if __name__ == "__main__":
    import jax
    _d = setup_inputs()
    print(jax.jit(kernel)(*tuple(_d.values())))

</pallas_src>

<mosaic_0001>
#map = affine_map<(d0, d1) -> (0, 0)>
#map1 = affine_map<(d0, d1) -> (0, 0, 0)>
module attributes {stable_mosaic.version = 14 : i64} {
  func.func @agg_kernel(%arg0: i32, %arg1: i32, %arg2: memref<10016x128xf32, #tpu.memory_space<hbm>>, %arg3: memref<32x125x80xi32, #tpu.memory_space<hbm>>, %arg4: memref<32x125x80xi32, #tpu.memory_space<hbm>>, %arg5: memref<640x128xf32, #tpu.memory_space<hbm>>, %arg6: memref<20480x128xf32, #tpu.memory_space<hbm>>, %arg7: memref<10240x128xf32, #tpu.memory_space<vmem_shared>>, %arg8: memref<125x80xi32, #tpu.memory_space<vmem>>, %arg9: memref<125x80xi32, #tpu.memory_space<vmem>>, %arg10: memref<80x128xf32, #tpu.memory_space<vmem>>, %arg11: memref<!tpu.dma_semaphore, #tpu.memory_space<semaphore_mem>>) attributes {dimension_semantics = [#tpu.dimension_semantics<core_parallel>, #tpu.dimension_semantics<subcore_parallel>], iteration_bounds = array<i64: 2, 16>, scalar_prefetch = 0 : i64, scratch_operands = 5 : i64, tpu.core_type = #tpu.core_type<sc_vector_subcore>, window_params = [{transform_indices = #map}, {transform_indices = #map1}, {transform_indices = #map1}, {transform_indices = #map}, {transform_indices = #map}]} {
    %mul3A = arith.constant 2 : i32
    %mul3A_0 = arith.muli %arg1, %mul3A : i32
    %add3A = arith.addi %mul3A_0, %arg0 : i32
    %mul3A_1 = arith.constant 640 : i32
    %mul3A_2 = arith.muli %arg1, %mul3A_1 : i32
    "tpu.region"() ({
      %run_scoped3A = tpu.sem_alloc : memref<!tpu.dma_semaphore, #tpu.memory_space<semaphore_mem>>
      %dma_start3A = arith.constant 0 : i32
      %dma_start3A_11 = tpu.memref_slice %arg7[%mul3A_2, %dma_start3A] : memref<10240x128xf32, #tpu.memory_space<vmem_shared>> -> memref<640x128xf32, #tpu.memory_space<vmem_shared>>
      tpu.enqueue_dma source(%arg5 : memref<640x128xf32, #tpu.memory_space<hbm>>) target(%dma_start3A_11 : memref<640x128xf32, #tpu.memory_space<vmem_shared>>) target_semaphore(%run_scoped3A : memref<!tpu.dma_semaphore, #tpu.memory_space<semaphore_mem>>)
      %dma_wait3A = arith.constant 0 : i32
      %dma_wait3A_12 = tpu.memref_slice %arg7[%mul3A_2, %dma_wait3A] : memref<10240x128xf32, #tpu.memory_space<vmem_shared>> -> memref<640x128xf32, #tpu.memory_space<vmem_shared>>
      tpu.wait_dma2 semaphore(%run_scoped3A : memref<!tpu.dma_semaphore, #tpu.memory_space<semaphore_mem>>) src(%arg5 : memref<640x128xf32, #tpu.memory_space<hbm>>) dst(%dma_wait3A_12 : memref<640x128xf32, #tpu.memory_space<vmem_shared>>)
      tpu.yield
    }) : () -> ()
    "tpu.region"() ({
      %run_scoped3A = tpu.sem_alloc : memref<!tpu.dma_semaphore, #tpu.memory_space<semaphore_mem>>
      %dma_start3A = arith.constant 0 : i32
      %dma_start3A_11 = arith.constant 0 : i32
      %dma_start3A_12 = tpu.memref_slice %arg3[%add3A, %dma_start3A, %dma_start3A_11] : memref<32x125x80xi32, #tpu.memory_space<hbm>> -> memref<1x125x80xi32, #tpu.memory_space<hbm>>
      %dma_start3A_13 = tpu.memref_squeeze %dma_start3A_12 : memref<1x125x80xi32, #tpu.memory_space<hbm>> -> memref<125x80xi32, #tpu.memory_space<hbm>>
      %dma_start3A_14 = arith.constant 0 : i32
      %dma_start3A_15 = arith.constant 0 : i32
      %dma_start3A_16 = tpu.memref_slice %arg3[%add3A, %dma_start3A_14, %dma_start3A_15] : memref<32x125x80xi32, #tpu.memory_space<hbm>> -> memref<1x125x80xi32, #tpu.memory_space<hbm>>
      %dma_start3A_17 = tpu.memref_squeeze %dma_start3A_16 : memref<1x125x80xi32, #tpu.memory_space<hbm>> -> memref<125x80xi32, #tpu.memory_space<hbm>>
      tpu.enqueue_dma source(%dma_start3A_17 : memref<125x80xi32, #tpu.memory_space<hbm>>) target(%arg8 : memref<125x80xi32, #tpu.memory_space<vmem>>) target_semaphore(%run_scoped3A : memref<!tpu.dma_semaphore, #tpu.memory_space<semaphore_mem>>)
      %dma_wait3A = arith.constant 0 : i32
      %dma_wait3A_18 = arith.constant 0 : i32
      %dma_wait3A_19 = tpu.memref_slice %arg3[%add3A, %dma_wait3A, %dma_wait3A_18] : memref<32x125x80xi32, #tpu.memory_space<hbm>> -> memref<1x125x80xi32, #tpu.memory_space<hbm>>
      %dma_wait3A_20 = tpu.memref_squeeze %dma_wait3A_19 : memref<1x125x80xi32, #tpu.memory_space<hbm>> -> memref<125x80xi32, #tpu.memory_space<hbm>>
      %dma_wait3A_21 = arith.constant 0 : i32
      %dma_wait3A_22 = arith.constant 0 : i32
      %dma_wait3A_23 = tpu.memref_slice %arg3[%add3A, %dma_wait3A_21, %dma_wait3A_22] : memref<32x125x80xi32, #tpu.memory_space<hbm>> -> memref<1x125x80xi32, #tpu.memory_space<hbm>>
      %dma_wait3A_24 = tpu.memref_squeeze %dma_wait3A_23 : memref<1x125x80xi32, #tpu.memory_space<hbm>> -> memref<125x80xi32, #tpu.memory_space<hbm>>
      tpu.wait_dma2 semaphore(%run_scoped3A : memref<!tpu.dma_semaphore, #tpu.memory_space<semaphore_mem>>) src(%dma_wait3A_24 : memref<125x80xi32, #tpu.memory_space<hbm>>) dst(%arg8 : memref<125x80xi32, #tpu.memory_space<vmem>>)
      tpu.yield
    }) : () -> ()
    "tpu.region"() ({
      %run_scoped3A = tpu.sem_alloc : memref<!tpu.dma_semaphore, #tpu.memory_space<semaphore_mem>>
      %dma_start3A = arith.constant 0 : i32
      %dma_start3A_11 = arith.constant 0 : i32
      %dma_start3A_12 = tpu.memref_slice %arg4[%add3A, %dma_start3A, %dma_start3A_11] : memref<32x125x80xi32, #tpu.memory_space<hbm>> -> memref<1x125x80xi32, #tpu.memory_space<hbm>>
      %dma_start3A_13 = tpu.memref_squeeze %dma_start3A_12 : memref<1x125x80xi32, #tpu.memory_space<hbm>> -> memref<125x80xi32, #tpu.memory_space<hbm>>
      %dma_start3A_14 = arith.constant 0 : i32
      %dma_start3A_15 = arith.constant 0 : i32
      %dma_start3A_16 = tpu.memref_slice %arg4[%add3A, %dma_start3A_14, %dma_start3A_15] : memref<32x125x80xi32, #tpu.memory_space<hbm>> -> memref<1x125x80xi32, #tpu.memory_space<hbm>>
      %dma_start3A_17 = tpu.memref_squeeze %dma_start3A_16 : memref<1x125x80xi32, #tpu.memory_space<hbm>> -> memref<125x80xi32, #tpu.memory_space<hbm>>
      tpu.enqueue_dma source(%dma_start3A_17 : memref<125x80xi32, #tpu.memory_space<hbm>>) target(%arg9 : memref<125x80xi32, #tpu.memory_space<vmem>>) target_semaphore(%run_scoped3A : memref<!tpu.dma_semaphore, #tpu.memory_space<semaphore_mem>>)
      %dma_wait3A = arith.constant 0 : i32
      %dma_wait3A_18 = arith.constant 0 : i32
      %dma_wait3A_19 = tpu.memref_slice %arg4[%add3A, %dma_wait3A, %dma_wait3A_18] : memref<32x125x80xi32, #tpu.memory_space<hbm>> -> memref<1x125x80xi32, #tpu.memory_space<hbm>>
      %dma_wait3A_20 = tpu.memref_squeeze %dma_wait3A_19 : memref<1x125x80xi32, #tpu.memory_space<hbm>> -> memref<125x80xi32, #tpu.memory_space<hbm>>
      %dma_wait3A_21 = arith.constant 0 : i32
      %dma_wait3A_22 = arith.constant 0 : i32
      %dma_wait3A_23 = tpu.memref_slice %arg4[%add3A, %dma_wait3A_21, %dma_wait3A_22] : memref<32x125x80xi32, #tpu.memory_space<hbm>> -> memref<1x125x80xi32, #tpu.memory_space<hbm>>
      %dma_wait3A_24 = tpu.memref_squeeze %dma_wait3A_23 : memref<1x125x80xi32, #tpu.memory_space<hbm>> -> memref<125x80xi32, #tpu.memory_space<hbm>>
      tpu.wait_dma2 semaphore(%run_scoped3A : memref<!tpu.dma_semaphore, #tpu.memory_space<semaphore_mem>>) src(%dma_wait3A_24 : memref<125x80xi32, #tpu.memory_space<hbm>>) dst(%arg9 : memref<125x80xi32, #tpu.memory_space<vmem>>)
      tpu.yield
    }) : () -> ()
    %barrier3A = arith.constant 0 : index
    tpu.barrier barrier_id(%barrier3A)
    %scan3A = arith.constant 0 : i32
    %scan3A_3 = arith.constant 125 : i32
    %scan3A_4 = arith.addi %scan3A, %scan3A_3 : i32
    %scan3A_5 = arith.constant 1 : i32
    scf.for %scan3A_11 = %scan3A to %scan3A_4 step %scan3A_5  : i32 {
      %mul3A_12 = arith.constant 1 : i32
      %mul3A_13 = arith.muli %scan3A_11, %mul3A_12 : i32
      %add3A_14 = arith.constant 0 : i32
      %add3A_15 = arith.addi %add3A_14, %mul3A_13 : i32
      %dma_start3A = arith.constant 0 : i32
      %dma_start3A_16 = tpu.memref_slice %arg8[%add3A_15, %dma_start3A] : memref<125x80xi32, #tpu.memory_space<vmem>> -> memref<1x80xi32, #tpu.memory_space<vmem>>
      %dma_start3A_17 = tpu.memref_squeeze %dma_start3A_16 : memref<1x80xi32, #tpu.memory_space<vmem>> -> memref<80xi32, #tpu.memory_space<vmem>>
      %dma_start3A_18 = arith.constant 0 : i32
      %dma_start3A_19 = arith.constant 0 : i32
      %dma_start3A_20 = tpu.memref_slice %arg2[%dma_start3A_18, %dma_start3A_19] : memref<10016x128xf32, #tpu.memory_space<hbm>> -> memref<10016x128xf32, #tpu.memory_space<hbm>>
      tpu.enqueue_indirect_dma source(%dma_start3A_20 : memref<10016x128xf32, #tpu.memory_space<hbm>>) target(%arg10 : memref<80x128xf32, #tpu.memory_space<vmem>>) offsets(%dma_start3A_17 : memref<80xi32, #tpu.memory_space<vmem>>) semaphore(%arg11 : memref<!tpu.dma_semaphore, #tpu.memory_space<semaphore_mem>>)
      %dma_wait3A = arith.constant 0 : i32
      %dma_wait3A_21 = tpu.memref_slice %arg8[%add3A_15, %dma_wait3A] : memref<125x80xi32, #tpu.memory_space<vmem>> -> memref<1x80xi32, #tpu.memory_space<vmem>>
      %dma_wait3A_22 = tpu.memref_squeeze %dma_wait3A_21 : memref<1x80xi32, #tpu.memory_space<vmem>> -> memref<80xi32, #tpu.memory_space<vmem>>
      %dma_wait3A_23 = arith.constant 0 : i32
      %dma_wait3A_24 = arith.constant 0 : i32
      %dma_wait3A_25 = tpu.memref_slice %arg2[%dma_wait3A_23, %dma_wait3A_24] : memref<10016x128xf32, #tpu.memory_space<hbm>> -> memref<10016x128xf32, #tpu.memory_space<hbm>>
      tpu.wait_indirect_dma semaphore(%arg11 : memref<!tpu.dma_semaphore, #tpu.memory_space<semaphore_mem>>) src(%dma_wait3A_25 : memref<10016x128xf32, #tpu.memory_space<hbm>>) dst(%arg10 : memref<80x128xf32, #tpu.memory_space<vmem>>)
      "tpu.region"() ({
        %run_scoped3A = tpu.sem_alloc : memref<!tpu.dma_semaphore, #tpu.memory_space<semaphore_mem>>
        %dma_start3A_26 = arith.constant 0 : i32
        %dma_start3A_27 = tpu.memref_slice %arg9[%add3A_15, %dma_start3A_26] : memref<125x80xi32, #tpu.memory_space<vmem>> -> memref<1x80xi32, #tpu.memory_space<vmem>>
        %dma_start3A_28 = tpu.memref_squeeze %dma_start3A_27 : memref<1x80xi32, #tpu.memory_space<vmem>> -> memref<80xi32, #tpu.memory_space<vmem>>
        %dma_start3A_29 = arith.constant 0 : i32
        %dma_start3A_30 = arith.constant 0 : i32
        %dma_start3A_31 = tpu.memref_slice %arg7[%dma_start3A_29, %dma_start3A_30] : memref<10240x128xf32, #tpu.memory_space<vmem_shared>> -> memref<10240x128xf32, #tpu.memory_space<vmem_shared>>
        tpu.enqueue_indirect_dma source(%arg10 : memref<80x128xf32, #tpu.memory_space<vmem>>) target(%dma_start3A_31 : memref<10240x128xf32, #tpu.memory_space<vmem_shared>>) offsets(%dma_start3A_28 : memref<80xi32, #tpu.memory_space<vmem>>) semaphore(%run_scoped3A : memref<!tpu.dma_semaphore, #tpu.memory_space<semaphore_mem>>) {add = true}
        %dma_wait3A_32 = arith.constant 0 : i32
        %dma_wait3A_33 = tpu.memref_slice %arg9[%add3A_15, %dma_wait3A_32] : memref<125x80xi32, #tpu.memory_space<vmem>> -> memref<1x80xi32, #tpu.memory_space<vmem>>
        %dma_wait3A_34 = tpu.memref_squeeze %dma_wait3A_33 : memref<1x80xi32, #tpu.memory_space<vmem>> -> memref<80xi32, #tpu.memory_space<vmem>>
        %dma_wait3A_35 = arith.constant 0 : i32
        %dma_wait3A_36 = arith.constant 0 : i32
        %dma_wait3A_37 = tpu.memref_slice %arg7[%dma_wait3A_35, %dma_wait3A_36] : memref<10240x128xf32, #tpu.memory_space<vmem_shared>> -> memref<10240x128xf32, #tpu.memory_space<vmem_shared>>
        tpu.wait_indirect_dma semaphore(%run_scoped3A : memref<!tpu.dma_semaphore, #tpu.memory_space<semaphore_mem>>) src(%arg10 : memref<80x128xf32, #tpu.memory_space<vmem>>) dst(%dma_wait3A_37 : memref<10240x128xf32, #tpu.memory_space<vmem_shared>>)
        tpu.yield
      }) : () -> ()
    }
    %scan3A_6 = arith.constant 125 : i32
    %barrier3A_7 = arith.constant 0 : index
    tpu.barrier barrier_id(%barrier3A_7)
    %mul3A_8 = arith.constant 10240 : i32
    %mul3A_9 = arith.muli %arg0, %mul3A_8 : i32
    %add3A_10 = arith.addi %mul3A_9, %mul3A_2 : i32
    "tpu.region"() ({
      %run_scoped3A = tpu.sem_alloc : memref<!tpu.dma_semaphore, #tpu.memory_space<semaphore_mem>>
      %dma_start3A = arith.constant 0 : i32
      %dma_start3A_11 = tpu.memref_slice %arg6[%add3A_10, %dma_start3A] : memref<20480x128xf32, #tpu.memory_space<hbm>> -> memref<640x128xf32, #tpu.memory_space<hbm>>
      %dma_start3A_12 = arith.constant 0 : i32
      %dma_start3A_13 = tpu.memref_slice %arg7[%mul3A_2, %dma_start3A_12] : memref<10240x128xf32, #tpu.memory_space<vmem_shared>> -> memref<640x128xf32, #tpu.memory_space<vmem_shared>>
      tpu.enqueue_dma source(%dma_start3A_13 : memref<640x128xf32, #tpu.memory_space<vmem_shared>>) target(%dma_start3A_11 : memref<640x128xf32, #tpu.memory_space<hbm>>) target_semaphore(%run_scoped3A : memref<!tpu.dma_semaphore, #tpu.memory_space<semaphore_mem>>)
      %dma_wait3A = arith.constant 0 : i32
      %dma_wait3A_14 = tpu.memref_slice %arg6[%add3A_10, %dma_wait3A] : memref<20480x128xf32, #tpu.memory_space<hbm>> -> memref<640x128xf32, #tpu.memory_space<hbm>>
      %dma_wait3A_15 = arith.constant 0 : i32
      %dma_wait3A_16 = tpu.memref_slice %arg7[%mul3A_2, %dma_wait3A_15] : memref<10240x128xf32, #tpu.memory_space<vmem_shared>> -> memref<640x128xf32, #tpu.memory_space<vmem_shared>>
      tpu.wait_dma2 semaphore(%run_scoped3A : memref<!tpu.dma_semaphore, #tpu.memory_space<semaphore_mem>>) src(%dma_wait3A_16 : memref<640x128xf32, #tpu.memory_space<vmem_shared>>) dst(%dma_wait3A_14 : memref<640x128xf32, #tpu.memory_space<hbm>>)
      tpu.yield
    }) : () -> ()
    return
  }
}

#map = affine_map<(d0, d1) -> (0, 0, 0, 0)>
#map1 = affine_map<(d0, d1) -> (0, 0)>
module attributes {stable_mosaic.version = 14 : i64} {
  func.func @deg_kernel(%arg0: i32, %arg1: i32, %arg2: memref<2x16x250x80xi32, #tpu.memory_space<hbm>>, %arg3: memref<640x128xf32, #tpu.memory_space<hbm>>, %arg4: memref<80x128xf32, #tpu.memory_space<hbm>>, %arg5: memref<20480x128xf32, #tpu.memory_space<hbm>>, %arg6: memref<10240x128xf32, #tpu.memory_space<vmem_shared>>, %arg7: memref<250x80xi32, #tpu.memory_space<vmem>>, %arg8: memref<80x128xf32, #tpu.memory_space<vmem>>) attributes {dimension_semantics = [#tpu.dimension_semantics<core_parallel>, #tpu.dimension_semantics<subcore_parallel>], iteration_bounds = array<i64: 2, 16>, scalar_prefetch = 0 : i64, scratch_operands = 3 : i64, tpu.core_type = #tpu.core_type<sc_vector_subcore>, window_params = [{transform_indices = #map}, {transform_indices = #map1}, {transform_indices = #map1}, {transform_indices = #map1}]} {
    %mul3A = arith.constant 640 : i32
    %mul3A_0 = arith.muli %arg1, %mul3A : i32
    "tpu.region"() ({
      %run_scoped3A = tpu.sem_alloc : memref<!tpu.dma_semaphore, #tpu.memory_space<semaphore_mem>>
      %dma_start3A = arith.constant 0 : i32
      %dma_start3A_8 = tpu.memref_slice %arg6[%mul3A_0, %dma_start3A] : memref<10240x128xf32, #tpu.memory_space<vmem_shared>> -> memref<640x128xf32, #tpu.memory_space<vmem_shared>>
      tpu.enqueue_dma source(%arg3 : memref<640x128xf32, #tpu.memory_space<hbm>>) target(%dma_start3A_8 : memref<640x128xf32, #tpu.memory_space<vmem_shared>>) target_semaphore(%run_scoped3A : memref<!tpu.dma_semaphore, #tpu.memory_space<semaphore_mem>>)
      %dma_wait3A = arith.constant 0 : i32
      %dma_wait3A_9 = tpu.memref_slice %arg6[%mul3A_0, %dma_wait3A] : memref<10240x128xf32, #tpu.memory_space<vmem_shared>> -> memref<640x128xf32, #tpu.memory_space<vmem_shared>>
      tpu.wait_dma2 semaphore(%run_scoped3A : memref<!tpu.dma_semaphore, #tpu.memory_space<semaphore_mem>>) src(%arg3 : memref<640x128xf32, #tpu.memory_space<hbm>>) dst(%dma_wait3A_9 : memref<640x128xf32, #tpu.memory_space<vmem_shared>>)
      tpu.yield
    }) : () -> ()
    "tpu.region"() ({
      %run_scoped3A = tpu.sem_alloc : memref<!tpu.dma_semaphore, #tpu.memory_space<semaphore_mem>>
      %dma_start3A = arith.constant 0 : i32
      %dma_start3A_8 = arith.constant 0 : i32
      %dma_start3A_9 = tpu.memref_slice %arg2[%arg0, %arg1, %dma_start3A, %dma_start3A_8] : memref<2x16x250x80xi32, #tpu.memory_space<hbm>> -> memref<1x1x250x80xi32, #tpu.memory_space<hbm>>
      %dma_start3A_10 = tpu.memref_squeeze %dma_start3A_9 : memref<1x1x250x80xi32, #tpu.memory_space<hbm>> -> memref<250x80xi32, #tpu.memory_space<hbm>>
      %dma_start3A_11 = arith.constant 0 : i32
      %dma_start3A_12 = arith.constant 0 : i32
      %dma_start3A_13 = tpu.memref_slice %arg2[%arg0, %arg1, %dma_start3A_11, %dma_start3A_12] : memref<2x16x250x80xi32, #tpu.memory_space<hbm>> -> memref<1x1x250x80xi32, #tpu.memory_space<hbm>>
      %dma_start3A_14 = tpu.memref_squeeze %dma_start3A_13 : memref<1x1x250x80xi32, #tpu.memory_space<hbm>> -> memref<250x80xi32, #tpu.memory_space<hbm>>
      tpu.enqueue_dma source(%dma_start3A_14 : memref<250x80xi32, #tpu.memory_space<hbm>>) target(%arg7 : memref<250x80xi32, #tpu.memory_space<vmem>>) target_semaphore(%run_scoped3A : memref<!tpu.dma_semaphore, #tpu.memory_space<semaphore_mem>>)
      %dma_wait3A = arith.constant 0 : i32
      %dma_wait3A_15 = arith.constant 0 : i32
      %dma_wait3A_16 = tpu.memref_slice %arg2[%arg0, %arg1, %dma_wait3A, %dma_wait3A_15] : memref<2x16x250x80xi32, #tpu.memory_space<hbm>> -> memref<1x1x250x80xi32, #tpu.memory_space<hbm>>
      %dma_wait3A_17 = tpu.memref_squeeze %dma_wait3A_16 : memref<1x1x250x80xi32, #tpu.memory_space<hbm>> -> memref<250x80xi32, #tpu.memory_space<hbm>>
      %dma_wait3A_18 = arith.constant 0 : i32
      %dma_wait3A_19 = arith.constant 0 : i32
      %dma_wait3A_20 = tpu.memref_slice %arg2[%arg0, %arg1, %dma_wait3A_18, %dma_wait3A_19] : memref<2x16x250x80xi32, #tpu.memory_space<hbm>> -> memref<1x1x250x80xi32, #tpu.memory_space<hbm>>
      %dma_wait3A_21 = tpu.memref_squeeze %dma_wait3A_20 : memref<1x1x250x80xi32, #tpu.memory_space<hbm>> -> memref<250x80xi32, #tpu.memory_space<hbm>>
      tpu.wait_dma2 semaphore(%run_scoped3A : memref<!tpu.dma_semaphore, #tpu.memory_space<semaphore_mem>>) src(%dma_wait3A_21 : memref<250x80xi32, #tpu.memory_space<hbm>>) dst(%arg7 : memref<250x80xi32, #tpu.memory_space<vmem>>)
      tpu.yield
    }) : () -> ()
    "tpu.region"() ({
      %run_scoped3A = tpu.sem_alloc : memref<!tpu.dma_semaphore, #tpu.memory_space<semaphore_mem>>
      tpu.enqueue_dma source(%arg4 : memref<80x128xf32, #tpu.memory_space<hbm>>) target(%arg8 : memref<80x128xf32, #tpu.memory_space<vmem>>) target_semaphore(%run_scoped3A : memref<!tpu.dma_semaphore, #tpu.memory_space<semaphore_mem>>)
      tpu.wait_dma2 semaphore(%run_scoped3A : memref<!tpu.dma_semaphore, #tpu.memory_space<semaphore_mem>>) src(%arg4 : memref<80x128xf32, #tpu.memory_space<hbm>>) dst(%arg8 : memref<80x128xf32, #tpu.memory_space<vmem>>)
      tpu.yield
    }) : () -> ()
    %barrier3A = arith.constant 0 : index
    tpu.barrier barrier_id(%barrier3A)
    %scan3A = arith.constant 0 : i32
    %scan3A_1 = arith.constant 250 : i32
    %scan3A_2 = arith.addi %scan3A, %scan3A_1 : i32
    %scan3A_3 = arith.constant 1 : i32
    scf.for %scan3A_8 = %scan3A to %scan3A_2 step %scan3A_3  : i32 {
      %mul3A_9 = arith.constant 1 : i32
      %mul3A_10 = arith.muli %scan3A_8, %mul3A_9 : i32
      %add3A_11 = arith.constant 0 : i32
      %add3A_12 = arith.addi %add3A_11, %mul3A_10 : i32
      "tpu.region"() ({
        %run_scoped3A = tpu.sem_alloc : memref<!tpu.dma_semaphore, #tpu.memory_space<semaphore_mem>>
        %dma_start3A = arith.constant 0 : i32
        %dma_start3A_13 = tpu.memref_slice %arg7[%add3A_12, %dma_start3A] : memref<250x80xi32, #tpu.memory_space<vmem>> -> memref<1x80xi32, #tpu.memory_space<vmem>>
        %dma_start3A_14 = tpu.memref_squeeze %dma_start3A_13 : memref<1x80xi32, #tpu.memory_space<vmem>> -> memref<80xi32, #tpu.memory_space<vmem>>
        %dma_start3A_15 = arith.constant 0 : i32
        %dma_start3A_16 = arith.constant 0 : i32
        %dma_start3A_17 = tpu.memref_slice %arg6[%dma_start3A_15, %dma_start3A_16] : memref<10240x128xf32, #tpu.memory_space<vmem_shared>> -> memref<10240x128xf32, #tpu.memory_space<vmem_shared>>
        tpu.enqueue_indirect_dma source(%arg8 : memref<80x128xf32, #tpu.memory_space<vmem>>) target(%dma_start3A_17 : memref<10240x128xf32, #tpu.memory_space<vmem_shared>>) offsets(%dma_start3A_14 : memref<80xi32, #tpu.memory_space<vmem>>) semaphore(%run_scoped3A : memref<!tpu.dma_semaphore, #tpu.memory_space<semaphore_mem>>) {add = true}
        %dma_wait3A = arith.constant 0 : i32
        %dma_wait3A_18 = tpu.memref_slice %arg7[%add3A_12, %dma_wait3A] : memref<250x80xi32, #tpu.memory_space<vmem>> -> memref<1x80xi32, #tpu.memory_space<vmem>>
        %dma_wait3A_19 = tpu.memref_squeeze %dma_wait3A_18 : memref<1x80xi32, #tpu.memory_space<vmem>> -> memref<80xi32, #tpu.memory_space<vmem>>
        %dma_wait3A_20 = arith.constant 0 : i32
        %dma_wait3A_21 = arith.constant 0 : i32
        %dma_wait3A_22 = tpu.memref_slice %arg6[%dma_wait3A_20, %dma_wait3A_21] : memref<10240x128xf32, #tpu.memory_space<vmem_shared>> -> memref<10240x128xf32, #tpu.memory_space<vmem_shared>>
        tpu.wait_indirect_dma semaphore(%run_scoped3A : memref<!tpu.dma_semaphore, #tpu.memory_space<semaphore_mem>>) src(%arg8 : memref<80x128xf32, #tpu.memory_space<vmem>>) dst(%dma_wait3A_22 : memref<10240x128xf32, #tpu.memory_space<vmem_shared>>)
        tpu.yield
      }) : () -> ()
    }
    %scan3A_4 = arith.constant 250 : i32
    %barrier3A_5 = arith.constant 0 : index
    tpu.barrier barrier_id(%barrier3A_5)
    %mul3A_6 = arith.constant 10240 : i32
    %mul3A_7 = arith.muli %arg0, %mul3A_6 : i32
    %add3A = arith.addi %mul3A_7, %mul3A_0 : i32
    "tpu.region"() ({
      %run_scoped3A = tpu.sem_alloc : memref<!tpu.dma_semaphore, #tpu.memory_space<semaphore_mem>>
      %dma_start3A = arith.constant 0 : i32
      %dma_start3A_8 = tpu.memref_slice %arg5[%add3A, %dma_start3A] : memref<20480x128xf32, #tpu.memory_space<hbm>> -> memref<640x128xf32, #tpu.memory_space<hbm>>
      %dma_start3A_9 = arith.constant 0 : i32
      %dma_start3A_10 = tpu.memref_slice %arg6[%mul3A_0, %dma_start3A_9] : memref<10240x128xf32, #tpu.memory_space<vmem_shared>> -> memref<640x128xf32, #tpu.memory_space<vmem_shared>>
      tpu.enqueue_dma source(%dma_start3A_10 : memref<640x128xf32, #tpu.memory_space<vmem_shared>>) target(%dma_start3A_8 : memref<640x128xf32, #tpu.memory_space<hbm>>) target_semaphore(%run_scoped3A : memref<!tpu.dma_semaphore, #tpu.memory_space<semaphore_mem>>)
      %dma_wait3A = arith.constant 0 : i32
      %dma_wait3A_11 = tpu.memref_slice %arg5[%add3A, %dma_wait3A] : memref<20480x128xf32, #tpu.memory_space<hbm>> -> memref<640x128xf32, #tpu.memory_space<hbm>>
      %dma_wait3A_12 = arith.constant 0 : i32
      %dma_wait3A_13 = tpu.memref_slice %arg6[%mul3A_0, %dma_wait3A_12] : memref<10240x128xf32, #tpu.memory_space<vmem_shared>> -> memref<640x128xf32, #tpu.memory_space<vmem_shared>>
      tpu.wait_dma2 semaphore(%run_scoped3A : memref<!tpu.dma_semaphore, #tpu.memory_space<semaphore_mem>>) src(%dma_wait3A_13 : memref<640x128xf32, #tpu.memory_space<vmem_shared>>) dst(%dma_wait3A_11 : memref<640x128xf32, #tpu.memory_space<hbm>>)
      tpu.yield
    }) : () -> ()
    return
  }
}

#map = affine_map<(d0, d1) -> (0, 0)>
#map1 = affine_map<(d0, d1) -> (0, 0, 0)>
module attributes {stable_mosaic.version = 14 : i64} {
  func.func @dec_kernel(%arg0: i32, %arg1: i32, %arg2: memref<20000x128xf32, #tpu.memory_space<hbm>>, %arg3: memref<32x25x128xi32, #tpu.memory_space<hbm>>, %arg4: memref<32x25x128xi32, #tpu.memory_space<hbm>>, %arg5: memref<102400x128xf32, #tpu.memory_space<hbm>>, %arg6: memref<102400x128xf32, #tpu.memory_space<hbm>>, %arg7: memref<25x128xi32, #tpu.memory_space<vmem>>, %arg8: memref<25x128xi32, #tpu.memory_space<vmem>>, %arg9: memref<128x128xf32, #tpu.memory_space<vmem>>, %arg10: memref<128x128xf32, #tpu.memory_space<vmem>>, %arg11: memref<128x128xf32, #tpu.memory_space<vmem>>, %arg12: memref<128x128xf32, #tpu.memory_space<vmem>>, %arg13: memref<!tpu.dma_semaphore, #tpu.memory_space<semaphore_mem>>, %arg14: memref<!tpu.dma_semaphore, #tpu.memory_space<semaphore_mem>>, %arg15: memref<!tpu.dma_semaphore, #tpu.memory_space<semaphore_mem>>, %arg16: memref<!tpu.dma_semaphore, #tpu.memory_space<semaphore_mem>>) attributes {dimension_semantics = [#tpu.dimension_semantics<core_parallel>, #tpu.dimension_semantics<subcore_parallel>], iteration_bounds = array<i64: 2, 16>, scalar_prefetch = 0 : i64, scratch_operands = 10 : i64, tpu.core_type = #tpu.core_type<sc_vector_subcore>, window_params = [{transform_indices = #map}, {transform_indices = #map1}, {transform_indices = #map1}, {transform_indices = #map}, {transform_indices = #map}]} {
    %mul3A = arith.constant 2 : i32
    %mul3A_0 = arith.muli %arg1, %mul3A : i32
    %add3A = arith.addi %mul3A_0, %arg0 : i32
    %mul3A_1 = arith.constant 3200 : i32
    %mul3A_2 = arith.muli %add3A, %mul3A_1 : i32
    "tpu.region"() ({
      %run_scoped3A = tpu.sem_alloc : memref<!tpu.dma_semaphore, #tpu.memory_space<semaphore_mem>>
      %dma_start3A_37 = arith.constant 0 : i32
      %dma_start3A_38 = arith.constant 0 : i32
      %dma_start3A_39 = tpu.memref_slice %arg3[%add3A, %dma_start3A_37, %dma_start3A_38] : memref<32x25x128xi32, #tpu.memory_space<hbm>> -> memref<1x25x128xi32, #tpu.memory_space<hbm>>
      %dma_start3A_40 = tpu.memref_squeeze %dma_start3A_39 : memref<1x25x128xi32, #tpu.memory_space<hbm>> -> memref<25x128xi32, #tpu.memory_space<hbm>>
      %dma_start3A_41 = arith.constant 0 : i32
      %dma_start3A_42 = arith.constant 0 : i32
      %dma_start3A_43 = tpu.memref_slice %arg3[%add3A, %dma_start3A_41, %dma_start3A_42] : memref<32x25x128xi32, #tpu.memory_space<hbm>> -> memref<1x25x128xi32, #tpu.memory_space<hbm>>
      %dma_start3A_44 = tpu.memref_squeeze %dma_start3A_43 : memref<1x25x128xi32, #tpu.memory_space<hbm>> -> memref<25x128xi32, #tpu.memory_space<hbm>>
      tpu.enqueue_dma source(%dma_start3A_44 : memref<25x128xi32, #tpu.memory_space<hbm>>) target(%arg7 : memref<25x128xi32, #tpu.memory_space<vmem>>) target_semaphore(%run_scoped3A : memref<!tpu.dma_semaphore, #tpu.memory_space<semaphore_mem>>)
      %dma_wait3A_45 = arith.constant 0 : i32
      %dma_wait3A_46 = arith.constant 0 : i32
      %dma_wait3A_47 = tpu.memref_slice %arg3[%add3A, %dma_wait3A_45, %dma_wait3A_46] : memref<32x25x128xi32, #tpu.memory_space<hbm>> -> memref<1x25x128xi32, #tpu.memory_space<hbm>>
      %dma_wait3A_48 = tpu.memref_squeeze %dma_wait3A_47 : memref<1x25x128xi32, #tpu.memory_space<hbm>> -> memref<25x128xi32, #tpu.memory_space<hbm>>
      %dma_wait3A_49 = arith.constant 0 : i32
      %dma_wait3A_50 = arith.constant 0 : i32
      %dma_wait3A_51 = tpu.memref_slice %arg3[%add3A, %dma_wait3A_49, %dma_wait3A_50] : memref<32x25x128xi32, #tpu.memory_space<hbm>> -> memref<1x25x128xi32, #tpu.memory_space<hbm>>
      %dma_wait3A_52 = tpu.memref_squeeze %dma_wait3A_51 : memref<1x25x128xi32, #tpu.memory_space<hbm>> -> memref<25x128xi32, #tpu.memory_space<hbm>>
      tpu.wait_dma2 semaphore(%run_scoped3A : memref<!tpu.dma_semaphore, #tpu.memory_space<semaphore_mem>>) src(%dma_wait3A_52 : memref<25x128xi32, #tpu.memory_space<hbm>>) dst(%arg7 : memref<25x128xi32, #tpu.memory_space<vmem>>)
      tpu.yield
    }) : () -> ()
    "tpu.region"() ({
      %run_scoped3A = tpu.sem_alloc : memref<!tpu.dma_semaphore, #tpu.memory_space<semaphore_mem>>
      %dma_start3A_37 = arith.constant 0 : i32
      %dma_start3A_38 = arith.constant 0 : i32
      %dma_start3A_39 = tpu.memref_slice %arg4[%add3A, %dma_start3A_37, %dma_start3A_38] : memref<32x25x128xi32, #tpu.memory_space<hbm>> -> memref<1x25x128xi32, #tpu.memory_space<hbm>>
      %dma_start3A_40 = tpu.memref_squeeze %dma_start3A_39 : memref<1x25x128xi32, #tpu.memory_space<hbm>> -> memref<25x128xi32, #tpu.memory_space<hbm>>
      %dma_start3A_41 = arith.constant 0 : i32
      %dma_start3A_42 = arith.constant 0 : i32
      %dma_start3A_43 = tpu.memref_slice %arg4[%add3A, %dma_start3A_41, %dma_start3A_42] : memref<32x25x128xi32, #tpu.memory_space<hbm>> -> memref<1x25x128xi32, #tpu.memory_space<hbm>>
      %dma_start3A_44 = tpu.memref_squeeze %dma_start3A_43 : memref<1x25x128xi32, #tpu.memory_space<hbm>> -> memref<25x128xi32, #tpu.memory_space<hbm>>
      tpu.enqueue_dma source(%dma_start3A_44 : memref<25x128xi32, #tpu.memory_space<hbm>>) target(%arg8 : memref<25x128xi32, #tpu.memory_space<vmem>>) target_semaphore(%run_scoped3A : memref<!tpu.dma_semaphore, #tpu.memory_space<semaphore_mem>>)
      %dma_wait3A_45 = arith.constant 0 : i32
      %dma_wait3A_46 = arith.constant 0 : i32
      %dma_wait3A_47 = tpu.memref_slice %arg4[%add3A, %dma_wait3A_45, %dma_wait3A_46] : memref<32x25x128xi32, #tpu.memory_space<hbm>> -> memref<1x25x128xi32, #tpu.memory_space<hbm>>
      %dma_wait3A_48 = tpu.memref_squeeze %dma_wait3A_47 : memref<1x25x128xi32, #tpu.memory_space<hbm>> -> memref<25x128xi32, #tpu.memory_space<hbm>>
      %dma_wait3A_49 = arith.constant 0 : i32
      %dma_wait3A_50 = arith.constant 0 : i32
      %dma_wait3A_51 = tpu.memref_slice %arg4[%add3A, %dma_wait3A_49, %dma_wait3A_50] : memref<32x25x128xi32, #tpu.memory_space<hbm>> -> memref<1x25x128xi32, #tpu.memory_space<hbm>>
      %dma_wait3A_52 = tpu.memref_squeeze %dma_wait3A_51 : memref<1x25x128xi32, #tpu.memory_space<hbm>> -> memref<25x128xi32, #tpu.memory_space<hbm>>
      tpu.wait_dma2 semaphore(%run_scoped3A : memref<!tpu.dma_semaphore, #tpu.memory_space<semaphore_mem>>) src(%dma_wait3A_52 : memref<25x128xi32, #tpu.memory_space<hbm>>) dst(%arg8 : memref<25x128xi32, #tpu.memory_space<vmem>>)
      tpu.yield
    }) : () -> ()
    %dma_start3A = arith.constant 0 : i32
    %dma_start3A_3 = arith.constant 0 : i32
    %dma_start3A_4 = tpu.memref_slice %arg7[%dma_start3A, %dma_start3A_3] : memref<25x128xi32, #tpu.memory_space<vmem>> -> memref<1x128xi32, #tpu.memory_space<vmem>>
    %dma_start3A_5 = tpu.memref_squeeze %dma_start3A_4 : memref<1x128xi32, #tpu.memory_space<vmem>> -> memref<128xi32, #tpu.memory_space<vmem>>
    %dma_start3A_6 = arith.constant 0 : i32
    %dma_start3A_7 = arith.constant 0 : i32
    %dma_start3A_8 = tpu.memref_slice %arg2[%dma_start3A_6, %dma_start3A_7] : memref<20000x128xf32, #tpu.memory_space<hbm>> -> memref<20000x128xf32, #tpu.memory_space<hbm>>
    tpu.enqueue_indirect_dma source(%dma_start3A_8 : memref<20000x128xf32, #tpu.memory_space<hbm>>) target(%arg9 : memref<128x128xf32, #tpu.memory_space<vmem>>) offsets(%dma_start3A_5 : memref<128xi32, #tpu.memory_space<vmem>>) semaphore(%arg13 : memref<!tpu.dma_semaphore, #tpu.memory_space<semaphore_mem>>)
    %dma_start3A_9 = arith.constant 0 : i32
    %dma_start3A_10 = arith.constant 0 : i32
    %dma_start3A_11 = tpu.memref_slice %arg8[%dma_start3A_9, %dma_start3A_10] : memref<25x128xi32, #tpu.memory_space<vmem>> -> memref<1x128xi32, #tpu.memory_space<vmem>>
    %dma_start3A_12 = tpu.memref_squeeze %dma_start3A_11 : memref<1x128xi32, #tpu.memory_space<vmem>> -> memref<128xi32, #tpu.memory_space<vmem>>
    %dma_start3A_13 = arith.constant 0 : i32
    %dma_start3A_14 = arith.constant 0 : i32
    %dma_start3A_15 = tpu.memref_slice %arg2[%dma_start3A_13, %dma_start3A_14] : memref<20000x128xf32, #tpu.memory_space<hbm>> -> memref<20000x128xf32, #tpu.memory_space<hbm>>
    tpu.enqueue_indirect_dma source(%dma_start3A_15 : memref<20000x128xf32, #tpu.memory_space<hbm>>) target(%arg10 : memref<128x128xf32, #tpu.memory_space<vmem>>) offsets(%dma_start3A_12 : memref<128xi32, #tpu.memory_space<vmem>>) semaphore(%arg14 : memref<!tpu.dma_semaphore, #tpu.memory_space<semaphore_mem>>)
    %scan3A = arith.constant 0 : i32
    %scan3A_16 = arith.constant 12 : i32
    %scan3A_17 = arith.addi %scan3A, %scan3A_16 : i32
    %scan3A_18 = arith.constant 1 : i32
    scf.for %scan3A_37 = %scan3A to %scan3A_17 step %scan3A_18  : i32 {
      %mul3A_38 = arith.constant 1 : i32
      %mul3A_39 = arith.muli %scan3A_37, %mul3A_38 : i32
      %add3A_40 = arith.constant 0 : i32
      %add3A_41 = arith.addi %add3A_40, %mul3A_39 : i32
      %mul3A_42 = arith.constant 2 : i32
      %mul3A_43 = arith.muli %add3A_41, %mul3A_42 : i32
      %dma_wait3A_44 = arith.constant 0 : i32
      %dma_wait3A_45 = tpu.memref_slice %arg7[%mul3A_43, %dma_wait3A_44] : memref<25x128xi32, #tpu.memory_space<vmem>> -> memref<1x128xi32, #tpu.memory_space<vmem>>
      %dma_wait3A_46 = tpu.memref_squeeze %dma_wait3A_45 : memref<1x128xi32, #tpu.memory_space<vmem>> -> memref<128xi32, #tpu.memory_space<vmem>>
      %dma_wait3A_47 = arith.constant 0 : i32
      %dma_wait3A_48 = arith.constant 0 : i32
      %dma_wait3A_49 = tpu.memref_slice %arg2[%dma_wait3A_47, %dma_wait3A_48] : memref<20000x128xf32, #tpu.memory_space<hbm>> -> memref<20000x128xf32, #tpu.memory_space<hbm>>
      tpu.wait_indirect_dma semaphore(%arg13 : memref<!tpu.dma_semaphore, #tpu.memory_space<semaphore_mem>>) src(%dma_wait3A_49 : memref<20000x128xf32, #tpu.memory_space<hbm>>) dst(%arg9 : memref<128x128xf32, #tpu.memory_space<vmem>>)
      %dma_wait3A_50 = arith.constant 0 : i32
      %dma_wait3A_51 = tpu.memref_slice %arg8[%mul3A_43, %dma_wait3A_50] : memref<25x128xi32, #tpu.memory_space<vmem>> -> memref<1x128xi32, #tpu.memory_space<vmem>>
      %dma_wait3A_52 = tpu.memref_squeeze %dma_wait3A_51 : memref<1x128xi32, #tpu.memory_space<vmem>> -> memref<128xi32, #tpu.memory_space<vmem>>
      %dma_wait3A_53 = arith.constant 0 : i32
      %dma_wait3A_54 = arith.constant 0 : i32
      %dma_wait3A_55 = tpu.memref_slice %arg2[%dma_wait3A_53, %dma_wait3A_54] : memref<20000x128xf32, #tpu.memory_space<hbm>> -> memref<20000x128xf32, #tpu.memory_space<hbm>>
      tpu.wait_indirect_dma semaphore(%arg14 : memref<!tpu.dma_semaphore, #tpu.memory_space<semaphore_mem>>) src(%dma_wait3A_55 : memref<20000x128xf32, #tpu.memory_space<hbm>>) dst(%arg10 : memref<128x128xf32, #tpu.memory_space<vmem>>)
      %add3A_56 = arith.constant 1 : i32
      %add3A_57 = arith.addi %mul3A_43, %add3A_56 : i32
      %dma_start3A_58 = arith.constant 0 : i32
      %dma_start3A_59 = tpu.memref_slice %arg7[%add3A_57, %dma_start3A_58] : memref<25x128xi32, #tpu.memory_space<vmem>> -> memref<1x128xi32, #tpu.memory_space<vmem>>
      %dma_start3A_60 = tpu.memref_squeeze %dma_start3A_59 : memref<1x128xi32, #tpu.memory_space<vmem>> -> memref<128xi32, #tpu.memory_space<vmem>>
      %dma_start3A_61 = arith.constant 0 : i32
      %dma_start3A_62 = arith.constant 0 : i32
      %dma_start3A_63 = tpu.memref_slice %arg2[%dma_start3A_61, %dma_start3A_62] : memref<20000x128xf32, #tpu.memory_space<hbm>> -> memref<20000x128xf32, #tpu.memory_space<hbm>>
      tpu.enqueue_indirect_dma source(%dma_start3A_63 : memref<20000x128xf32, #tpu.memory_space<hbm>>) target(%arg11 : memref<128x128xf32, #tpu.memory_space<vmem>>) offsets(%dma_start3A_60 : memref<128xi32, #tpu.memory_space<vmem>>) semaphore(%arg15 : memref<!tpu.dma_semaphore, #tpu.memory_space<semaphore_mem>>)
      %add3A_64 = arith.constant 1 : i32
      %add3A_65 = arith.addi %mul3A_43, %add3A_64 : i32
      %dma_start3A_66 = arith.constant 0 : i32
      %dma_start3A_67 = tpu.memref_slice %arg8[%add3A_65, %dma_start3A_66] : memref<25x128xi32, #tpu.memory_space<vmem>> -> memref<1x128xi32, #tpu.memory_space<vmem>>
      %dma_start3A_68 = tpu.memref_squeeze %dma_start3A_67 : memref<1x128xi32, #tpu.memory_space<vmem>> -> memref<128xi32, #tpu.memory_space<vmem>>
      %dma_start3A_69 = arith.constant 0 : i32
      %dma_start3A_70 = arith.constant 0 : i32
      %dma_start3A_71 = tpu.memref_slice %arg2[%dma_start3A_69, %dma_start3A_70] : memref<20000x128xf32, #tpu.memory_space<hbm>> -> memref<20000x128xf32, #tpu.memory_space<hbm>>
      tpu.enqueue_indirect_dma source(%dma_start3A_71 : memref<20000x128xf32, #tpu.memory_space<hbm>>) target(%arg12 : memref<128x128xf32, #tpu.memory_space<vmem>>) offsets(%dma_start3A_68 : memref<128xi32, #tpu.memory_space<vmem>>) semaphore(%arg16 : memref<!tpu.dma_semaphore, #tpu.memory_space<semaphore_mem>>)
      %mul3A_72 = arith.constant 128 : i32
      %mul3A_73 = arith.muli %mul3A_43, %mul3A_72 : i32
      %add3A_74 = arith.addi %mul3A_2, %mul3A_73 : i32
      "tpu.region"() ({
        %run_scoped3A = tpu.sem_alloc : memref<!tpu.dma_semaphore, #tpu.memory_space<semaphore_mem>>
        %dma_start3A_108 = arith.constant 0 : i32
        %dma_start3A_109 = tpu.memref_slice %arg5[%add3A_74, %dma_start3A_108] : memref<102400x128xf32, #tpu.memory_space<hbm>> -> memref<128x128xf32, #tpu.memory_space<hbm>>
        %dma_start3A_110 = arith.constant 0 : i32
        %dma_start3A_111 = tpu.memref_slice %arg5[%add3A_74, %dma_start3A_110] : memref<102400x128xf32, #tpu.memory_space<hbm>> -> memref<128x128xf32, #tpu.memory_space<hbm>>
        tpu.enqueue_dma source(%arg9 : memref<128x128xf32, #tpu.memory_space<vmem>>) target(%dma_start3A_111 : memref<128x128xf32, #tpu.memory_space<hbm>>) target_semaphore(%run_scoped3A : memref<!tpu.dma_semaphore, #tpu.memory_space<semaphore_mem>>)
        %dma_wait3A_112 = arith.constant 0 : i32
        %dma_wait3A_113 = tpu.memref_slice %arg5[%add3A_74, %dma_wait3A_112] : memref<102400x128xf32, #tpu.memory_space<hbm>> -> memref<128x128xf32, #tpu.memory_space<hbm>>
        %dma_wait3A_114 = arith.constant 0 : i32
        %dma_wait3A_115 = tpu.memref_slice %arg5[%add3A_74, %dma_wait3A_114] : memref<102400x128xf32, #tpu.memory_space<hbm>> -> memref<128x128xf32, #tpu.memory_space<hbm>>
        tpu.wait_dma2 semaphore(%run_scoped3A : memref<!tpu.dma_semaphore, #tpu.memory_space<semaphore_mem>>) src(%arg9 : memref<128x128xf32, #tpu.memory_space<vmem>>) dst(%dma_wait3A_115 : memref<128x128xf32, #tpu.memory_space<hbm>>)
        tpu.yield
      }) : () -> ()
      %mul3A_75 = arith.constant 128 : i32
      %mul3A_76 = arith.muli %mul3A_43, %mul3A_75 : i32
      %add3A_77 = arith.addi %mul3A_2, %mul3A_76 : i32
      "tpu.region"() ({
        %run_scoped3A = tpu.sem_alloc : memref<!tpu.dma_semaphore, #tpu.memory_space<semaphore_mem>>
        %dma_start3A_108 = arith.constant 0 : i32
        %dma_start3A_109 = tpu.memref_slice %arg6[%add3A_77, %dma_start3A_108] : memref<102400x128xf32, #tpu.memory_space<hbm>> -> memref<128x128xf32, #tpu.memory_space<hbm>>
        %dma_start3A_110 = arith.constant 0 : i32
        %dma_start3A_111 = tpu.memref_slice %arg6[%add3A_77, %dma_start3A_110] : memref<102400x128xf32, #tpu.memory_space<hbm>> -> memref<128x128xf32, #tpu.memory_space<hbm>>
        tpu.enqueue_dma source(%arg10 : memref<128x128xf32, #tpu.memory_space<vmem>>) target(%dma_start3A_111 : memref<128x128xf32, #tpu.memory_space<hbm>>) target_semaphore(%run_scoped3A : memref<!tpu.dma_semaphore, #tpu.memory_space<semaphore_mem>>)
        %dma_wait3A_112 = arith.constant 0 : i32
        %dma_wait3A_113 = tpu.memref_slice %arg6[%add3A_77, %dma_wait3A_112] : memref<102400x128xf32, #tpu.memory_space<hbm>> -> memref<128x128xf32, #tpu.memory_space<hbm>>
        %dma_wait3A_114 = arith.constant 0 : i32
        %dma_wait3A_115 = tpu.memref_slice %arg6[%add3A_77, %dma_wait3A_114] : memref<102400x128xf32, #tpu.memory_space<hbm>> -> memref<128x128xf32, #tpu.memory_space<hbm>>
        tpu.wait_dma2 semaphore(%run_scoped3A : memref<!tpu.dma_semaphore, #tpu.memory_space<semaphore_mem>>) src(%arg10 : memref<128x128xf32, #tpu.memory_space<vmem>>) dst(%dma_wait3A_115 : memref<128x128xf32, #tpu.memory_space<hbm>>)
        tpu.yield
      }) : () -> ()
      %add3A_78 = arith.constant 1 : i32
      %add3A_79 = arith.addi %mul3A_43, %add3A_78 : i32
      %dma_wait3A_80 = arith.constant 0 : i32
      %dma_wait3A_81 = tpu.memref_slice %arg7[%add3A_79, %dma_wait3A_80] : memref<25x128xi32, #tpu.memory_space<vmem>> -> memref<1x128xi32, #tpu.memory_space<vmem>>
      %dma_wait3A_82 = tpu.memref_squeeze %dma_wait3A_81 : memref<1x128xi32, #tpu.memory_space<vmem>> -> memref<128xi32, #tpu.memory_space<vmem>>
      %dma_wait3A_83 = arith.constant 0 : i32
      %dma_wait3A_84 = arith.constant 0 : i32
      %dma_wait3A_85 = tpu.memref_slice %arg2[%dma_wait3A_83, %dma_wait3A_84] : memref<20000x128xf32, #tpu.memory_space<hbm>> -> memref<20000x128xf32, #tpu.memory_space<hbm>>
      tpu.wait_indirect_dma semaphore(%arg15 : memref<!tpu.dma_semaphore, #tpu.memory_space<semaphore_mem>>) src(%dma_wait3A_85 : memref<20000x128xf32, #tpu.memory_space<hbm>>) dst(%arg11 : memref<128x128xf32, #tpu.memory_space<vmem>>)
      %add3A_86 = arith.constant 1 : i32
      %add3A_87 = arith.addi %mul3A_43, %add3A_86 : i32
      %dma_wait3A_88 = arith.constant 0 : i32
      %dma_wait3A_89 = tpu.memref_slice %arg8[%add3A_87, %dma_wait3A_88] : memref<25x128xi32, #tpu.memory_space<vmem>> -> memref<1x128xi32, #tpu.memory_space<vmem>>
      %dma_wait3A_90 = tpu.memref_squeeze %dma_wait3A_89 : memref<1x128xi32, #tpu.memory_space<vmem>> -> memref<128xi32, #tpu.memory_space<vmem>>
      %dma_wait3A_91 = arith.constant 0 : i32
      %dma_wait3A_92 = arith.constant 0 : i32
      %dma_wait3A_93 = tpu.memref_slice %arg2[%dma_wait3A_91, %dma_wait3A_92] : memref<20000x128xf32, #tpu.memory_space<hbm>> -> memref<20000x128xf32, #tpu.memory_space<hbm>>
      tpu.wait_indirect_dma semaphore(%arg16 : memref<!tpu.dma_semaphore, #tpu.memory_space<semaphore_mem>>) src(%dma_wait3A_93 : memref<20000x128xf32, #tpu.memory_space<hbm>>) dst(%arg12 : memref<128x128xf32, #tpu.memory_space<vmem>>)
      %add3A_94 = arith.constant 2 : i32
      %add3A_95 = arith.addi %mul3A_43, %add3A_94 : i32
      %lt3A = arith.constant 25 : i32
      %lt3A_96 = arith.cmpi slt, %add3A_95, %lt3A : i32
      %convert_element_type3A = arith.extui %lt3A_96 : i1 to i32
      %cond3A = arith.constant 0 : i32
      %cond3A_97 = arith.cmpi ne, %convert_element_type3A, %cond3A : i32
      scf.if %cond3A_97 {
        %add3A_108 = arith.constant 2 : i32
        %add3A_109 = arith.addi %mul3A_43, %add3A_108 : i32
        %dma_start3A_110 = arith.constant 0 : i32
        %dma_start3A_111 = tpu.memref_slice %arg7[%add3A_109, %dma_start3A_110] : memref<25x128xi32, #tpu.memory_space<vmem>> -> memref<1x128xi32, #tpu.memory_space<vmem>>
        %dma_start3A_112 = tpu.memref_squeeze %dma_start3A_111 : memref<1x128xi32, #tpu.memory_space<vmem>> -> memref<128xi32, #tpu.memory_space<vmem>>
        %dma_start3A_113 = arith.constant 0 : i32
        %dma_start3A_114 = arith.constant 0 : i32
        %dma_start3A_115 = tpu.memref_slice %arg2[%dma_start3A_113, %dma_start3A_114] : memref<20000x128xf32, #tpu.memory_space<hbm>> -> memref<20000x128xf32, #tpu.memory_space<hbm>>
        tpu.enqueue_indirect_dma source(%dma_start3A_115 : memref<20000x128xf32, #tpu.memory_space<hbm>>) target(%arg9 : memref<128x128xf32, #tpu.memory_space<vmem>>) offsets(%dma_start3A_112 : memref<128xi32, #tpu.memory_space<vmem>>) semaphore(%arg13 : memref<!tpu.dma_semaphore, #tpu.memory_space<semaphore_mem>>)
        %add3A_116 = arith.constant 2 : i32
        %add3A_117 = arith.addi %mul3A_43, %add3A_116 : i32
        %dma_start3A_118 = arith.constant 0 : i32
        %dma_start3A_119 = tpu.memref_slice %arg8[%add3A_117, %dma_start3A_118] : memref<25x128xi32, #tpu.memory_space<vmem>> -> memref<1x128xi32, #tpu.memory_space<vmem>>
        %dma_start3A_120 = tpu.memref_squeeze %dma_start3A_119 : memref<1x128xi32, #tpu.memory_space<vmem>> -> memref<128xi32, #tpu.memory_space<vmem>>
        %dma_start3A_121 = arith.constant 0 : i32
        %dma_start3A_122 = arith.constant 0 : i32
        %dma_start3A_123 = tpu.memref_slice %arg2[%dma_start3A_121, %dma_start3A_122] : memref<20000x128xf32, #tpu.memory_space<hbm>> -> memref<20000x128xf32, #tpu.memory_space<hbm>>
        tpu.enqueue_indirect_dma source(%dma_start3A_123 : memref<20000x128xf32, #tpu.memory_space<hbm>>) target(%arg10 : memref<128x128xf32, #tpu.memory_space<vmem>>) offsets(%dma_start3A_120 : memref<128xi32, #tpu.memory_space<vmem>>) semaphore(%arg14 : memref<!tpu.dma_semaphore, #tpu.memory_space<semaphore_mem>>)
      } else {
      }
      %add3A_98 = arith.constant 1 : i32
      %add3A_99 = arith.addi %mul3A_43, %add3A_98 : i32
      %mul3A_100 = arith.constant 128 : i32
      %mul3A_101 = arith.muli %add3A_99, %mul3A_100 : i32
      %add3A_102 = arith.addi %mul3A_2, %mul3A_101 : i32
      "tpu.region"() ({
        %run_scoped3A = tpu.sem_alloc : memref<!tpu.dma_semaphore, #tpu.memory_space<semaphore_mem>>
        %dma_start3A_108 = arith.constant 0 : i32
        %dma_start3A_109 = tpu.memref_slice %arg5[%add3A_102, %dma_start3A_108] : memref<102400x128xf32, #tpu.memory_space<hbm>> -> memref<128x128xf32, #tpu.memory_space<hbm>>
        %dma_start3A_110 = arith.constant 0 : i32
        %dma_start3A_111 = tpu.memref_slice %arg5[%add3A_102, %dma_start3A_110] : memref<102400x128xf32, #tpu.memory_space<hbm>> -> memref<128x128xf32, #tpu.memory_space<hbm>>
        tpu.enqueue_dma source(%arg11 : memref<128x128xf32, #tpu.memory_space<vmem>>) target(%dma_start3A_111 : memref<128x128xf32, #tpu.memory_space<hbm>>) target_semaphore(%run_scoped3A : memref<!tpu.dma_semaphore, #tpu.memory_space<semaphore_mem>>)
        %dma_wait3A_112 = arith.constant 0 : i32
        %dma_wait3A_113 = tpu.memref_slice %arg5[%add3A_102, %dma_wait3A_112] : memref<102400x128xf32, #tpu.memory_space<hbm>> -> memref<128x128xf32, #tpu.memory_space<hbm>>
        %dma_wait3A_114 = arith.constant 0 : i32
        %dma_wait3A_115 = tpu.memref_slice %arg5[%add3A_102, %dma_wait3A_114] : memref<102400x128xf32, #tpu.memory_space<hbm>> -> memref<128x128xf32, #tpu.memory_space<hbm>>
        tpu.wait_dma2 semaphore(%run_scoped3A : memref<!tpu.dma_semaphore, #tpu.memory_space<semaphore_mem>>) src(%arg11 : memref<128x128xf32, #tpu.memory_space<vmem>>) dst(%dma_wait3A_115 : memref<128x128xf32, #tpu.memory_space<hbm>>)
        tpu.yield
      }) : () -> ()
      %add3A_103 = arith.constant 1 : i32
      %add3A_104 = arith.addi %mul3A_43, %add3A_103 : i32
      %mul3A_105 = arith.constant 128 : i32
      %mul3A_106 = arith.muli %add3A_104, %mul3A_105 : i32
      %add3A_107 = arith.addi %mul3A_2, %mul3A_106 : i32
      "tpu.region"() ({
        %run_scoped3A = tpu.sem_alloc : memref<!tpu.dma_semaphore, #tpu.memory_space<semaphore_mem>>
        %dma_start3A_108 = arith.constant 0 : i32
        %dma_start3A_109 = tpu.memref_slice %arg6[%add3A_107, %dma_start3A_108] : memref<102400x128xf32, #tpu.memory_space<hbm>> -> memref<128x128xf32, #tpu.memory_space<hbm>>
        %dma_start3A_110 = arith.constant 0 : i32
        %dma_start3A_111 = tpu.memref_slice %arg6[%add3A_107, %dma_start3A_110] : memref<102400x128xf32, #tpu.memory_space<hbm>> -> memref<128x128xf32, #tpu.memory_space<hbm>>
        tpu.enqueue_dma source(%arg12 : memref<128x128xf32, #tpu.memory_space<vmem>>) target(%dma_start3A_111 : memref<128x128xf32, #tpu.memory_space<hbm>>) target_semaphore(%run_scoped3A : memref<!tpu.dma_semaphore, #tpu.memory_space<semaphore_mem>>)
        %dma_wait3A_112 = arith.constant 0 : i32
        %dma_wait3A_113 = tpu.memref_slice %arg6[%add3A_107, %dma_wait3A_112] : memref<102400x128xf32, #tpu.memory_space<hbm>> -> memref<128x128xf32, #tpu.memory_space<hbm>>
        %dma_wait3A_114 = arith.constant 0 : i32
        %dma_wait3A_115 = tpu.memref_slice %arg6[%add3A_107, %dma_wait3A_114] : memref<102400x128xf32, #tpu.memory_space<hbm>> -> memref<128x128xf32, #tpu.memory_space<hbm>>
        tpu.wait_dma2 semaphore(%run_scoped3A : memref<!tpu.dma_semaphore, #tpu.memory_space<semaphore_mem>>) src(%arg12 : memref<128x128xf32, #tpu.memory_space<vmem>>) dst(%dma_wait3A_115 : memref<128x128xf32, #tpu.memory_space<hbm>>)
        tpu.yield
      }) : () -> ()
    }
    %scan3A_19 = arith.constant 12 : i32
    %dma_wait3A = arith.constant 24 : i32
    %dma_wait3A_20 = arith.constant 0 : i32
    %dma_wait3A_21 = tpu.memref_slice %arg7[%dma_wait3A, %dma_wait3A_20] : memref<25x128xi32, #tpu.memory_space<vmem>> -> memref<1x128xi32, #tpu.memory_space<vmem>>
    %dma_wait3A_22 = tpu.memref_squeeze %dma_wait3A_21 : memref<1x128xi32, #tpu.memory_space<vmem>> -> memref<128xi32, #tpu.memory_space<vmem>>
    %dma_wait3A_23 = arith.constant 0 : i32
    %dma_wait3A_24 = arith.constant 0 : i32
    %dma_wait3A_25 = tpu.memref_slice %arg2[%dma_wait3A_23, %dma_wait3A_24] : memref<20000x128xf32, #tpu.memory_space<hbm>> -> memref<20000x128xf32, #tpu.memory_space<hbm>>
    tpu.wait_indirect_dma semaphore(%arg13 : memref<!tpu.dma_semaphore, #tpu.memory_space<semaphore_mem>>) src(%dma_wait3A_25 : memref<20000x128xf32, #tpu.memory_space<hbm>>) dst(%arg9 : memref<128x128xf32, #tpu.memory_space<vmem>>)
    %dma_wait3A_26 = arith.constant 24 : i32
    %dma_wait3A_27 = arith.constant 0 : i32
    %dma_wait3A_28 = tpu.memref_slice %arg8[%dma_wait3A_26, %dma_wait3A_27] : memref<25x128xi32, #tpu.memory_space<vmem>> -> memref<1x128xi32, #tpu.memory_space<vmem>>
    %dma_wait3A_29 = tpu.memref_squeeze %dma_wait3A_28 : memref<1x128xi32, #tpu.memory_space<vmem>> -> memref<128xi32, #tpu.memory_space<vmem>>
    %dma_wait3A_30 = arith.constant 0 : i32
    %dma_wait3A_31 = arith.constant 0 : i32
    %dma_wait3A_32 = tpu.memref_slice %arg2[%dma_wait3A_30, %dma_wait3A_31] : memref<20000x128xf32, #tpu.memory_space<hbm>> -> memref<20000x128xf32, #tpu.memory_space<hbm>>
    tpu.wait_indirect_dma semaphore(%arg14 : memref<!tpu.dma_semaphore, #tpu.memory_space<semaphore_mem>>) src(%dma_wait3A_32 : memref<20000x128xf32, #tpu.memory_space<hbm>>) dst(%arg10 : memref<128x128xf32, #tpu.memory_space<vmem>>)
    %add3A_33 = arith.constant 3072 : i32
    %add3A_34 = arith.addi %mul3A_2, %add3A_33 : i32
    "tpu.region"() ({
      %run_scoped3A = tpu.sem_alloc : memref<!tpu.dma_semaphore, #tpu.memory_space<semaphore_mem>>
      %dma_start3A_37 = arith.constant 0 : i32
      %dma_start3A_38 = tpu.memref_slice %arg5[%add3A_34, %dma_start3A_37] : memref<102400x128xf32, #tpu.memory_space<hbm>> -> memref<128x128xf32, #tpu.memory_space<hbm>>
      %dma_start3A_39 = arith.constant 0 : i32
      %dma_start3A_40 = tpu.memref_slice %arg5[%add3A_34, %dma_start3A_39] : memref<102400x128xf32, #tpu.memory_space<hbm>> -> memref<128x128xf32, #tpu.memory_space<hbm>>
      tpu.enqueue_dma source(%arg9 : memref<128x128xf32, #tpu.memory_space<vmem>>) target(%dma_start3A_40 : memref<128x128xf32, #tpu.memory_space<hbm>>) target_semaphore(%run_scoped3A : memref<!tpu.dma_semaphore, #tpu.memory_space<semaphore_mem>>)
      %dma_wait3A_41 = arith.constant 0 : i32
      %dma_wait3A_42 = tpu.memref_slice %arg5[%add3A_34, %dma_wait3A_41] : memref<102400x128xf32, #tpu.memory_space<hbm>> -> memref<128x128xf32, #tpu.memory_space<hbm>>
      %dma_wait3A_43 = arith.constant 0 : i32
      %dma_wait3A_44 = tpu.memref_slice %arg5[%add3A_34, %dma_wait3A_43] : memref<102400x128xf32, #tpu.memory_space<hbm>> -> memref<128x128xf32, #tpu.memory_space<hbm>>
      tpu.wait_dma2 semaphore(%run_scoped3A : memref<!tpu.dma_semaphore, #tpu.memory_space<semaphore_mem>>) src(%arg9 : memref<128x128xf32, #tpu.memory_space<vmem>>) dst(%dma_wait3A_44 : memref<128x128xf32, #tpu.memory_space<hbm>>)
      tpu.yield
    }) : () -> ()
    %add3A_35 = arith.constant 3072 : i32
    %add3A_36 = arith.addi %mul3A_2, %add3A_35 : i32
    "tpu.region"() ({
      %run_scoped3A = tpu.sem_alloc : memref<!tpu.dma_semaphore, #tpu.memory_space<semaphore_mem>>
      %dma_start3A_37 = arith.constant 0 : i32
      %dma_start3A_38 = tpu.memref_slice %arg6[%add3A_36, %dma_start3A_37] : memref<102400x128xf32, #tpu.memory_space<hbm>> -> memref<128x128xf32, #tpu.memory_space<hbm>>
      %dma_start3A_39 = arith.constant 0 : i32
      %dma_start3A_40 = tpu.memref_slice %arg6[%add3A_36, %dma_start3A_39] : memref<102400x128xf32, #tpu.memory_space<hbm>> -> memref<128x128xf32, #tpu.memory_space<hbm>>
      tpu.enqueue_dma source(%arg10 : memref<128x128xf32, #tpu.memory_space<vmem>>) target(%dma_start3A_40 : memref<128x128xf32, #tpu.memory_space<hbm>>) target_semaphore(%run_scoped3A : memref<!tpu.dma_semaphore, #tpu.memory_space<semaphore_mem>>)
      %dma_wait3A_41 = arith.constant 0 : i32
      %dma_wait3A_42 = tpu.memref_slice %arg6[%add3A_36, %dma_wait3A_41] : memref<102400x128xf32, #tpu.memory_space<hbm>> -> memref<128x128xf32, #tpu.memory_space<hbm>>
      %dma_wait3A_43 = arith.constant 0 : i32
      %dma_wait3A_44 = tpu.memref_slice %arg6[%add3A_36, %dma_wait3A_43] : memref<102400x128xf32, #tpu.memory_space<hbm>> -> memref<128x128xf32, #tpu.memory_space<hbm>>
      tpu.wait_dma2 semaphore(%run_scoped3A : memref<!tpu.dma_semaphore, #tpu.memory_space<semaphore_mem>>) src(%arg10 : memref<128x128xf32, #tpu.memory_space<vmem>>) dst(%dma_wait3A_44 : memref<128x128xf32, #tpu.memory_space<hbm>>)
      tpu.yield
    }) : () -> ()
    return
  }
}

#map = affine_map<(d0, d1) -> (0, 0)>
#map1 = affine_map<(d0, d1) -> (0, 0, 0)>
module attributes {stable_mosaic.version = 14 : i64} {
  func.func @agg_kernel(%arg0: i32, %arg1: i32, %arg2: memref<10016x128xf32, #tpu.memory_space<hbm>>, %arg3: memref<32x125x80xi32, #tpu.memory_space<hbm>>, %arg4: memref<32x125x80xi32, #tpu.memory_space<hbm>>, %arg5: memref<640x128xf32, #tpu.memory_space<hbm>>, %arg6: memref<20480x128xf32, #tpu.memory_space<hbm>>, %arg7: memref<10240x128xf32, #tpu.memory_space<vmem_shared>>, %arg8: memref<125x80xi32, #tpu.memory_space<vmem>>, %arg9: memref<125x80xi32, #tpu.memory_space<vmem>>, %arg10: memref<80x128xf32, #tpu.memory_space<vmem>>, %arg11: memref<!tpu.dma_semaphore, #tpu.memory_space<semaphore_mem>>) attributes {dimension_semantics = [#tpu.dimension_semantics<core_parallel>, #tpu.dimension_semantics<subcore_parallel>], iteration_bounds = array<i64: 2, 16>, scalar_prefetch = 0 : i64, scratch_operands = 5 : i64, tpu.core_type = #tpu.core_type<sc_vector_subcore>, window_params = [{transform_indices = #map}, {transform_indices = #map1}, {transform_indices = #map1}, {transform_indices = #map}, {transform_indices = #map}]} {
    %mul3A = arith.constant 2 : i32
    %mul3A_0 = arith.muli %arg1, %mul3A : i32
    %add3A = arith.addi %mul3A_0, %arg0 : i32
    %mul3A_1 = arith.constant 640 : i32
    %mul3A_2 = arith.muli %arg1, %mul3A_1 : i32
    "tpu.region"() ({
      %run_scoped3A = tpu.sem_alloc : memref<!tpu.dma_semaphore, #tpu.memory_space<semaphore_mem>>
      %dma_start3A = arith.constant 0 : i32
      %dma_start3A_11 = tpu.memref_slice %arg7[%mul3A_2, %dma_start3A] : memref<10240x128xf32, #tpu.memory_space<vmem_shared>> -> memref<640x128xf32, #tpu.memory_space<vmem_shared>>
      tpu.enqueue_dma source(%arg5 : memref<640x128xf32, #tpu.memory_space<hbm>>) target(%dma_start3A_11 : memref<640x128xf32, #tpu.memory_space<vmem_shared>>) target_semaphore(%run_scoped3A : memref<!tpu.dma_semaphore, #tpu.memory_space<semaphore_mem>>)
      %dma_wait3A = arith.constant 0 : i32
      %dma_wait3A_12 = tpu.memref_slice %arg7[%mul3A_2, %dma_wait3A] : memref<10240x128xf32, #tpu.memory_space<vmem_shared>> -> memref<640x128xf32, #tpu.memory_space<vmem_shared>>
      tpu.wait_dma2 semaphore(%run_scoped3A : memref<!tpu.dma_semaphore, #tpu.memory_space<semaphore_mem>>) src(%arg5 : memref<640x128xf32, #tpu.memory_space<hbm>>) dst(%dma_wait3A_12 : memref<640x128xf32, #tpu.memory_space<vmem_shared>>)
      tpu.yield
    }) : () -> ()
    "tpu.region"() ({
      %run_scoped3A = tpu.sem_alloc : memref<!tpu.dma_semaphore, #tpu.memory_space<semaphore_mem>>
      %dma_start3A = arith.constant 0 : i32
      %dma_start3A_11 = arith.constant 0 : i32
      %dma_start3A_12 = tpu.memref_slice %arg3[%add3A, %dma_start3A, %dma_start3A_11] : memref<32x125x80xi32, #tpu.memory_space<hbm>> -> memref<1x125x80xi32, #tpu.memory_space<hbm>>
      %dma_start3A_13 = tpu.memref_squeeze %dma_start3A_12 : memref<1x125x80xi32, #tpu.memory_space<hbm>> -> memref<125x80xi32, #tpu.memory_space<hbm>>
      %dma_start3A_14 = arith.constant 0 : i32
      %dma_start3A_15 = arith.constant 0 : i32
      %dma_start3A_16 = tpu.memref_slice %arg3[%add3A, %dma_start3A_14, %dma_start3A_15] : memref<32x125x80xi32, #tpu.memory_space<hbm>> -> memref<1x125x80xi32, #tpu.memory_space<hbm>>
      %dma_start3A_17 = tpu.memref_squeeze %dma_start3A_16 : memref<1x125x80xi32, #tpu.memory_space<hbm>> -> memref<125x80xi32, #tpu.memory_space<hbm>>
      tpu.enqueue_dma source(%dma_start3A_17 : memref<125x80xi32, #tpu.memory_space<hbm>>) target(%arg8 : memref<125x80xi32, #tpu.memory_space<vmem>>) target_semaphore(%run_scoped3A : memref<!tpu.dma_semaphore, #tpu.memory_space<semaphore_mem>>)
      %dma_wait3A = arith.constant 0 : i32
      %dma_wait3A_18 = arith.constant 0 : i32
      %dma_wait3A_19 = tpu.memref_slice %arg3[%add3A, %dma_wait3A, %dma_wait3A_18] : memref<32x125x80xi32, #tpu.memory_space<hbm>> -> memref<1x125x80xi32, #tpu.memory_space<hbm>>
      %dma_wait3A_20 = tpu.memref_squeeze %dma_wait3A_19 : memref<1x125x80xi32, #tpu.memory_space<hbm>> -> memref<125x80xi32, #tpu.memory_space<hbm>>
      %dma_wait3A_21 = arith.constant 0 : i32
      %dma_wait3A_22 = arith.constant 0 : i32
      %dma_wait3A_23 = tpu.memref_slice %arg3[%add3A, %dma_wait3A_21, %dma_wait3A_22] : memref<32x125x80xi32, #tpu.memory_space<hbm>> -> memref<1x125x80xi32, #tpu.memory_space<hbm>>
      %dma_wait3A_24 = tpu.memref_squeeze %dma_wait3A_23 : memref<1x125x80xi32, #tpu.memory_space<hbm>> -> memref<125x80xi32, #tpu.memory_space<hbm>>
      tpu.wait_dma2 semaphore(%run_scoped3A : memref<!tpu.dma_semaphore, #tpu.memory_space<semaphore_mem>>) src(%dma_wait3A_24 : memref<125x80xi32, #tpu.memory_space<hbm>>) dst(%arg8 : memref<125x80xi32, #tpu.memory_space<vmem>>)
      tpu.yield
    }) : () -> ()
    "tpu.region"() ({
      %run_scoped3A = tpu.sem_alloc : memref<!tpu.dma_semaphore, #tpu.memory_space<semaphore_mem>>
      %dma_start3A = arith.constant 0 : i32
      %dma_start3A_11 = arith.constant 0 : i32
      %dma_start3A_12 = tpu.memref_slice %arg4[%add3A, %dma_start3A, %dma_start3A_11] : memref<32x125x80xi32, #tpu.memory_space<hbm>> -> memref<1x125x80xi32, #tpu.memory_space<hbm>>
      %dma_start3A_13 = tpu.memref_squeeze %dma_start3A_12 : memref<1x125x80xi32, #tpu.memory_space<hbm>> -> memref<125x80xi32, #tpu.memory_space<hbm>>
      %dma_start3A_14 = arith.constant 0 : i32
      %dma_start3A_15 = arith.constant 0 : i32
      %dma_start3A_16 = tpu.memref_slice %arg4[%add3A, %dma_start3A_14, %dma_start3A_15] : memref<32x125x80xi32, #tpu.memory_space<hbm>> -> memref<1x125x80xi32, #tpu.memory_space<hbm>>
      %dma_start3A_17 = tpu.memref_squeeze %dma_start3A_16 : memref<1x125x80xi32, #tpu.memory_space<hbm>> -> memref<125x80xi32, #tpu.memory_space<hbm>>
      tpu.enqueue_dma source(%dma_start3A_17 : memref<125x80xi32, #tpu.memory_space<hbm>>) target(%arg9 : memref<125x80xi32, #tpu.memory_space<vmem>>) target_semaphore(%run_scoped3A : memref<!tpu.dma_semaphore, #tpu.memory_space<semaphore_mem>>)
      %dma_wait3A = arith.constant 0 : i32
      %dma_wait3A_18 = arith.constant 0 : i32
      %dma_wait3A_19 = tpu.memref_slice %arg4[%add3A, %dma_wait3A, %dma_wait3A_18] : memref<32x125x80xi32, #tpu.memory_space<hbm>> -> memref<1x125x80xi32, #tpu.memory_space<hbm>>
      %dma_wait3A_20 = tpu.memref_squeeze %dma_wait3A_19 : memref<1x125x80xi32, #tpu.memory_space<hbm>> -> memref<125x80xi32, #tpu.memory_space<hbm>>
      %dma_wait3A_21 = arith.constant 0 : i32
      %dma_wait3A_22 = arith.constant 0 : i32
      %dma_wait3A_23 = tpu.memref_slice %arg4[%add3A, %dma_wait3A_21, %dma_wait3A_22] : memref<32x125x80xi32, #tpu.memory_space<hbm>> -> memref<1x125x80xi32, #tpu.memory_space<hbm>>
      %dma_wait3A_24 = tpu.memref_squeeze %dma_wait3A_23 : memref<1x125x80xi32, #tpu.memory_space<hbm>> -> memref<125x80xi32, #tpu.memory_space<hbm>>
      tpu.wait_dma2 semaphore(%run_scoped3A : memref<!tpu.dma_semaphore, #tpu.memory_space<semaphore_mem>>) src(%dma_wait3A_24 : memref<125x80xi32, #tpu.memory_space<hbm>>) dst(%arg9 : memref<125x80xi32, #tpu.memory_space<vmem>>)
      tpu.yield
    }) : () -> ()
    %barrier3A = arith.constant 0 : index
    tpu.barrier barrier_id(%barrier3A)
    %scan3A = arith.constant 0 : i32
    %scan3A_3 = arith.constant 125 : i32
    %scan3A_4 = arith.addi %scan3A, %scan3A_3 : i32
    %scan3A_5 = arith.constant 1 : i32
    scf.for %scan3A_11 = %scan3A to %scan3A_4 step %scan3A_5  : i32 {
      %mul3A_12 = arith.constant 1 : i32
      %mul3A_13 = arith.muli %scan3A_11, %mul3A_12 : i32
      %add3A_14 = arith.constant 0 : i32
      %add3A_15 = arith.addi %add3A_14, %mul3A_13 : i32
      %dma_start3A = arith.constant 0 : i32
      %dma_start3A_16 = tpu.memref_slice %arg8[%add3A_15, %dma_start3A] : memref<125x80xi32, #tpu.memory_space<vmem>> -> memref<1x80xi32, #tpu.memory_space<vmem>>
      %dma_start3A_17 = tpu.memref_squeeze %dma_start3A_16 : memref<1x80xi32, #tpu.memory_space<vmem>> -> memref<80xi32, #tpu.memory_space<vmem>>
      %dma_start3A_18 = arith.constant 0 : i32
      %dma_start3A_19 = arith.constant 0 : i32
      %dma_start3A_20 = tpu.memref_slice %arg2[%dma_start3A_18, %dma_start3A_19] : memref<10016x128xf32, #tpu.memory_space<hbm>> -> memref<10016x128xf32, #tpu.memory_space<hbm>>
      tpu.enqueue_indirect_dma source(%dma_start3A_20 : memref<10016x128xf32, #tpu.memory_space<hbm>>) target(%arg10 : memref<80x128xf32, #tpu.memory_space<vmem>>) offsets(%dma_start3A_17 : memref<80xi32, #tpu.memory_space<vmem>>) semaphore(%arg11 : memref<!tpu.dma_semaphore, #tpu.memory_space<semaphore_mem>>)
      %dma_wait3A = arith.constant 0 : i32
      %dma_wait3A_21 = tpu.memref_slice %arg8[%add3A_15, %dma_wait3A] : memref<125x80xi32, #tpu.memory_space<vmem>> -> memref<1x80xi32, #tpu.memory_space<vmem>>
      %dma_wait3A_22 = tpu.memref_squeeze %dma_wait3A_21 : memref<1x80xi32, #tpu.memory_space<vmem>> -> memref<80xi32, #tpu.memory_space<vmem>>
      %dma_wait3A_23 = arith.constant 0 : i32
      %dma_wait3A_24 = arith.constant 0 : i32
      %dma_wait3A_25 = tpu.memref_slice %arg2[%dma_wait3A_23, %dma_wait3A_24] : memref<10016x128xf32, #tpu.memory_space<hbm>> -> memref<10016x128xf32, #tpu.memory_space<hbm>>
      tpu.wait_indirect_dma semaphore(%arg11 : memref<!tpu.dma_semaphore, #tpu.memory_space<semaphore_mem>>) src(%dma_wait3A_25 : memref<10016x128xf32, #tpu.memory_space<hbm>>) dst(%arg10 : memref<80x128xf32, #tpu.memory_space<vmem>>)
      "tpu.region"() ({
        %run_scoped3A = tpu.sem_alloc : memref<!tpu.dma_semaphore, #tpu.memory_space<semaphore_mem>>
        %dma_start3A_26 = arith.constant 0 : i32
        %dma_start3A_27 = tpu.memref_slice %arg9[%add3A_15, %dma_start3A_26] : memref<125x80xi32, #tpu.memory_space<vmem>> -> memref<1x80xi32, #tpu.memory_space<vmem>>
        %dma_start3A_28 = tpu.memref_squeeze %dma_start3A_27 : memref<1x80xi32, #tpu.memory_space<vmem>> -> memref<80xi32, #tpu.memory_space<vmem>>
        %dma_start3A_29 = arith.constant 0 : i32
        %dma_start3A_30 = arith.constant 0 : i32
        %dma_start3A_31 = tpu.memref_slice %arg7[%dma_start3A_29, %dma_start3A_30] : memref<10240x128xf32, #tpu.memory_space<vmem_shared>> -> memref<10240x128xf32, #tpu.memory_space<vmem_shared>>
        tpu.enqueue_indirect_dma source(%arg10 : memref<80x128xf32, #tpu.memory_space<vmem>>) target(%dma_start3A_31 : memref<10240x128xf32, #tpu.memory_space<vmem_shared>>) offsets(%dma_start3A_28 : memref<80xi32, #tpu.memory_space<vmem>>) semaphore(%run_scoped3A : memref<!tpu.dma_semaphore, #tpu.memory_space<semaphore_mem>>) {add = true}
        %dma_wait3A_32 = arith.constant 0 : i32
        %dma_wait3A_33 = tpu.memref_slice %arg9[%add3A_15, %dma_wait3A_32] : memref<125x80xi32, #tpu.memory_space<vmem>> -> memref<1x80xi32, #tpu.memory_space<vmem>>
        %dma_wait3A_34 = tpu.memref_squeeze %dma_wait3A_33 : memref<1x80xi32, #tpu.memory_space<vmem>> -> memref<80xi32, #tpu.memory_space<vmem>>
        %dma_wait3A_35 = arith.constant 0 : i32
        %dma_wait3A_36 = arith.constant 0 : i32
        %dma_wait3A_37 = tpu.memref_slice %arg7[%dma_wait3A_35, %dma_wait3A_36] : memref<10240x128xf32, #tpu.memory_space<vmem_shared>> -> memref<10240x128xf32, #tpu.memory_space<vmem_shared>>
        tpu.wait_indirect_dma semaphore(%run_scoped3A : memref<!tpu.dma_semaphore, #tpu.memory_space<semaphore_mem>>) src(%arg10 : memref<80x128xf32, #tpu.memory_space<vmem>>) dst(%dma_wait3A_37 : memref<10240x128xf32, #tpu.memory_space<vmem_shared>>)
        tpu.yield
      }) : () -> ()
    }
    %scan3A_6 = arith.constant 125 : i32
    %barrier3A_7 = arith.constant 0 : index
    tpu.barrier barrier_id(%barrier3A_7)
    %mul3A_8 = arith.constant 10240 : i32
    %mul3A_9 = arith.muli %arg0, %mul3A_8 : i32
    %add3A_10 = arith.addi %mul3A_9, %mul3A_2 : i32
    "tpu.region"() ({
      %run_scoped3A = tpu.sem_alloc : memref<!tpu.dma_semaphore, #tpu.memory_space<semaphore_mem>>
      %dma_start3A = arith.constant 0 : i32
      %dma_start3A_11 = tpu.memref_slice %arg6[%add3A_10, %dma_start3A] : memref<20480x128xf32, #tpu.memory_space<hbm>> -> memref<640x128xf32, #tpu.memory_space<hbm>>
      %dma_start3A_12 = arith.constant 0 : i32
      %dma_start3A_13 = tpu.memref_slice %arg7[%mul3A_2, %dma_start3A_12] : memref<10240x128xf32, #tpu.memory_space<vmem_shared>> -> memref<640x128xf32, #tpu.memory_space<vmem_shared>>
      tpu.enqueue_dma source(%dma_start3A_13 : memref<640x128xf32, #tpu.memory_space<vmem_shared>>) target(%dma_start3A_11 : memref<640x128xf32, #tpu.memory_space<hbm>>) target_semaphore(%run_scoped3A : memref<!tpu.dma_semaphore, #tpu.memory_space<semaphore_mem>>)
      %dma_wait3A = arith.constant 0 : i32
      %dma_wait3A_14 = tpu.memref_slice %arg6[%add3A_10, %dma_wait3A] : memref<20480x128xf32, #tpu.memory_space<hbm>> -> memref<640x128xf32, #tpu.memory_space<hbm>>
      %dma_wait3A_15 = arith.constant 0 : i32
      %dma_wait3A_16 = tpu.memref_slice %arg7[%mul3A_2, %dma_wait3A_15] : memref<10240x128xf32, #tpu.memory_space<vmem_shared>> -> memref<640x128xf32, #tpu.memory_space<vmem_shared>>
      tpu.wait_dma2 semaphore(%run_scoped3A : memref<!tpu.dma_semaphore, #tpu.memory_space<semaphore_mem>>) src(%dma_wait3A_16 : memref<640x128xf32, #tpu.memory_space<vmem_shared>>) dst(%dma_wait3A_14 : memref<640x128xf32, #tpu.memory_space<hbm>>)
      tpu.yield
    }) : () -> ()
    return
  }
}

module attributes {stable_mosaic.version = 14 : i64} {
  func.func @_prep_body(%arg0: i32, %arg1: memref<400x128xf32, #tpu.memory_space<vmem>>, %arg2: memref<1x400x128xf32, #tpu.memory_space<vmem>>, %arg3: memref<400x128xf32, #tpu.memory_space<vmem>>) attributes {dimension_semantics = [#tpu.dimension_semantics<arbitrary>], iteration_bounds = array<i64: 25>, scalar_prefetch = 0 : i64, scratch_operands = 0 : i64, tpu.core_type = #tpu.core_type<tc>, window_params = [{transform_indices = @transform_0, window_bounds = array<i64: 400, 128>}, {transform_indices = @transform_1, window_bounds = array<i64: 1, 400, 128>}, {transform_indices = @transform_2, window_bounds = array<i64: 400, 128>}]} {
    %get3A = arith.constant 0 : index
    %get3A_0 = arith.constant 0 : index
    %get3A_1 = vector.load %arg1[%get3A, %get3A_0] : memref<400x128xf32, #tpu.memory_space<vmem>>, vector<400x128xf32>
    %get3A_2 = arith.constant 0 : index
    %get3A_3 = arith.constant 0 : index
    %get3A_4 = arith.constant 0 : index
    %get3A_5 = vector.load %arg2[%get3A_2, %get3A_3, %get3A_4] : memref<1x400x128xf32, #tpu.memory_space<vmem>>, vector<1x400x128xf32>
    %slice3A = vector.extract_strided_slice %get3A_5 {offsets = [0, 0, 0], sizes = [1, 400, 1], strides = [1, 1, 1]} : vector<1x400x128xf32> to vector<1x400x1xf32>
    %squeeze3A = vector.shape_cast %slice3A : vector<1x400x1xf32> to vector<400x1xf32>
    %max3A = arith.constant 1.000000e+00 : f32
    %max3A_6 = vector.broadcast %max3A : f32 to vector<400x1xf32>
    %max3A_7 = arith.maximumf %squeeze3A, %max3A_6 : vector<400x1xf32>
    %rsqrt3A = math.rsqrt %max3A_7 : vector<400x1xf32>
    %mul3A = vector.broadcast %rsqrt3A : vector<400x1xf32> to vector<400x128xf32>
    %mul3A_8 = arith.mulf %get3A_1, %mul3A : vector<400x128xf32>
    %swap3A = arith.constant 0 : index
    %swap3A_9 = arith.constant 0 : index
    %swap3A_10 = vector.load %arg3[%swap3A, %swap3A_9] : memref<400x128xf32, #tpu.memory_space<vmem>>, vector<400x128xf32>
    tpu.vector_store %arg3[%swap3A, %swap3A_9], %mul3A_8 {strides = array<i32>} : memref<400x128xf32, #tpu.memory_space<vmem>>, vector<400x128xf32>,
    return
  }
  func.func @transform_0(%arg0: i32) -> (i32, i32) {
    %c0_i32 = arith.constant 0 : i32
    %c0_i32_0 = arith.constant 0 : i32
    return %arg0, %c0_i32 : i32, i32
  }
  func.func @transform_1(%arg0: i32) -> (i32, i32, i32) {
    %c0_i32 = arith.constant 0 : i32
    %c0_i32_0 = arith.constant 0 : i32
    %c0_i32_1 = arith.constant 0 : i32
    return %c0_i32, %arg0, %c0_i32_0 : i32, i32, i32
  }
  func.func @transform_2(%arg0: i32) -> (i32, i32) {
    %c0_i32 = arith.constant 0 : i32
    %c0_i32_0 = arith.constant 0 : i32
    return %arg0, %c0_i32 : i32, i32
  }
}

module attributes {stable_mosaic.version = 14 : i64} {
  func.func @_mid_body(%arg0: i32, %arg1: memref<2x400x128xf32, #tpu.memory_space<vmem>>, %arg2: memref<1x400x128xf32, #tpu.memory_space<vmem>>, %arg3: memref<1x400x128xf32, #tpu.memory_space<vmem>>, %arg4: memref<128x128xf32, #tpu.memory_space<vmem>>, %arg5: memref<1x128xf32, #tpu.memory_space<vmem>>, %arg6: memref<400x128xf32, #tpu.memory_space<vmem>>) attributes {dimension_semantics = [#tpu.dimension_semantics<arbitrary>], iteration_bounds = array<i64: 25>, scalar_prefetch = 0 : i64, scratch_operands = 0 : i64, tpu.core_type = #tpu.core_type<tc>, window_params = [{transform_indices = @transform_0, window_bounds = array<i64: 2, 400, 128>}, {transform_indices = @transform_1, window_bounds = array<i64: 1, 400, 128>}, {transform_indices = @transform_2, window_bounds = array<i64: 1, 400, 128>}, {pipeline_mode = #tpu.pipeline_mode<synchronous>, transform_indices = @transform_3, window_bounds = array<i64: 128, 128>}, {pipeline_mode = #tpu.pipeline_mode<synchronous>, transform_indices = @transform_4, window_bounds = array<i64: 1, 128>}, {transform_indices = @transform_5, window_bounds = array<i64: 400, 128>}]} {
    %get3A = arith.constant 0 : index
    %get3A_0 = arith.constant 0 : index
    %get3A_1 = arith.constant 0 : index
    %get3A_2 = vector.load %arg1[%get3A, %get3A_0, %get3A_1] : memref<2x400x128xf32, #tpu.memory_space<vmem>>, vector<1x400x128xf32>
    %get3A_3 = vector.shape_cast %get3A_2 : vector<1x400x128xf32> to vector<400x128xf32>
    %get3A_4 = arith.constant 1 : index
    %get3A_5 = arith.constant 0 : index
    %get3A_6 = arith.constant 0 : index
    %get3A_7 = vector.load %arg1[%get3A_4, %get3A_5, %get3A_6] : memref<2x400x128xf32, #tpu.memory_space<vmem>>, vector<1x400x128xf32>
    %get3A_8 = vector.shape_cast %get3A_7 : vector<1x400x128xf32> to vector<400x128xf32>
    %add3A = arith.addf %get3A_3, %get3A_8 : vector<400x128xf32>
    %get3A_9 = arith.constant 0 : index
    %get3A_10 = arith.constant 0 : index
    %get3A_11 = arith.constant 0 : index
    %get3A_12 = vector.load %arg2[%get3A_9, %get3A_10, %get3A_11] : memref<1x400x128xf32, #tpu.memory_space<vmem>>, vector<1x400x128xf32>
    %slice3A = vector.extract_strided_slice %get3A_12 {offsets = [0, 0, 0], sizes = [1, 400, 1], strides = [1, 1, 1]} : vector<1x400x128xf32> to vector<1x400x1xf32>
    %squeeze3A = vector.shape_cast %slice3A : vector<1x400x1xf32> to vector<400x1xf32>
    %max3A = arith.constant 1.000000e+00 : f32
    %max3A_13 = vector.broadcast %max3A : f32 to vector<400x1xf32>
    %max3A_14 = arith.maximumf %squeeze3A, %max3A_13 : vector<400x1xf32>
    %rsqrt3A = math.rsqrt %max3A_14 : vector<400x1xf32>
    %mul3A = vector.broadcast %rsqrt3A : vector<400x1xf32> to vector<400x128xf32>
    %mul3A_15 = arith.mulf %add3A, %mul3A : vector<400x128xf32>
    %get3A_16 = arith.constant 0 : index
    %get3A_17 = arith.constant 0 : index
    %get3A_18 = vector.load %arg4[%get3A_16, %get3A_17] : memref<128x128xf32, #tpu.memory_space<vmem>>, vector<128x128xf32>
    %dot_general3A = arith.constant dense<0.000000e+00> : vector<400x128xf32>
    %dot_general3A_19 = tpu.matmul %mul3A_15, %get3A_18, %dot_general3A {dimension_numbers = #tpu.dot_dimension_numbers<[1], [0], [0], [1], [0, 0, 1, 1], [], []>, transpose_lhs_hint = false} : vector<400x128xf32>, vector<128x128xf32>, vector<400x128xf32> -> vector<400x128xf32>
    %get3A_20 = arith.constant 0 : index
    %get3A_21 = arith.constant 0 : index
    %get3A_22 = vector.load %arg5[%get3A_20, %get3A_21] : memref<1x128xf32, #tpu.memory_space<vmem>>, vector<1x128xf32>
    %add3A_23 = vector.broadcast %get3A_22 : vector<1x128xf32> to vector<400x128xf32>
    %add3A_24 = arith.addf %dot_general3A_19, %add3A_23 : vector<400x128xf32>
    %max3A_25 = arith.constant 0.000000e+00 : f32
    %max3A_26 = vector.broadcast %max3A_25 : f32 to vector<400x128xf32>
    %max3A_27 = arith.maximumf %add3A_24, %max3A_26 : vector<400x128xf32>
    %get3A_28 = arith.constant 0 : index
    %get3A_29 = arith.constant 0 : index
    %get3A_30 = arith.constant 0 : index
    %get3A_31 = vector.load %arg3[%get3A_28, %get3A_29, %get3A_30] : memref<1x400x128xf32, #tpu.memory_space<vmem>>, vector<1x400x128xf32>
    %slice3A_32 = vector.extract_strided_slice %get3A_31 {offsets = [0, 0, 0], sizes = [1, 400, 1], strides = [1, 1, 1]} : vector<1x400x128xf32> to vector<1x400x1xf32>
    %squeeze3A_33 = vector.shape_cast %slice3A_32 : vector<1x400x1xf32> to vector<400x1xf32>
    %max3A_34 = arith.constant 1.000000e+00 : f32
    %max3A_35 = vector.broadcast %max3A_34 : f32 to vector<400x1xf32>
    %max3A_36 = arith.maximumf %squeeze3A_33, %max3A_35 : vector<400x1xf32>
    %rsqrt3A_37 = math.rsqrt %max3A_36 : vector<400x1xf32>
    %mul3A_38 = vector.broadcast %rsqrt3A_37 : vector<400x1xf32> to vector<400x128xf32>
    %mul3A_39 = arith.mulf %max3A_27, %mul3A_38 : vector<400x128xf32>
    %swap3A = arith.constant 0 : index
    %swap3A_40 = arith.constant 0 : index
    %swap3A_41 = vector.load %arg6[%swap3A, %swap3A_40] : memref<400x128xf32, #tpu.memory_space<vmem>>, vector<400x128xf32>
    tpu.vector_store %arg6[%swap3A, %swap3A_40], %mul3A_39 {strides = array<i32>} : memref<400x128xf32, #tpu.memory_space<vmem>>, vector<400x128xf32>,
    return
  }
  func.func @transform_0(%arg0: i32) -> (i32, i32, i32) {
    %c0_i32 = arith.constant 0 : i32
    %c0_i32_0 = arith.constant 0 : i32
    %c0_i32_1 = arith.constant 0 : i32
    return %c0_i32, %arg0, %c0_i32_0 : i32, i32, i32
  }
  func.func @transform_1(%arg0: i32) -> (i32, i32, i32) {
    %c1_i32 = arith.constant 1 : i32
    %c0_i32 = arith.constant 0 : i32
    %c0_i32_0 = arith.constant 0 : i32
    return %c1_i32, %arg0, %c0_i32 : i32, i32, i32
  }
  func.func @transform_2(%arg0: i32) -> (i32, i32, i32) {
    %c0_i32 = arith.constant 0 : i32
    %c0_i32_0 = arith.constant 0 : i32
    %c0_i32_1 = arith.constant 0 : i32
    return %c0_i32, %arg0, %c0_i32_0 : i32, i32, i32
  }
  func.func @transform_3(%arg0: i32) -> (i32, i32) {
    %c0_i32 = arith.constant 0 : i32
    %c0_i32_0 = arith.constant 0 : i32
    %c0_i32_1 = arith.constant 0 : i32
    return %c0_i32, %c0_i32_0 : i32, i32
  }
  func.func @transform_4(%arg0: i32) -> (i32, i32) {
    %c0_i32 = arith.constant 0 : i32
    %c0_i32_0 = arith.constant 0 : i32
    %c0_i32_1 = arith.constant 0 : i32
    return %c0_i32, %c0_i32_0 : i32, i32
  }
  func.func @transform_5(%arg0: i32) -> (i32, i32) {
    %c0_i32 = arith.constant 0 : i32
    %c0_i32_0 = arith.constant 0 : i32
    return %arg0, %c0_i32 : i32, i32
  }
}

module attributes {stable_mosaic.version = 14 : i64} {
  func.func @_fin_body(%arg0: i32, %arg1: memref<2x400x128xf32, #tpu.memory_space<vmem>>, %arg2: memref<1x400x128xf32, #tpu.memory_space<vmem>>, %arg3: memref<128x128xf32, #tpu.memory_space<vmem>>, %arg4: memref<1x128xf32, #tpu.memory_space<vmem>>, %arg5: memref<128x128xf32, #tpu.memory_space<vmem>>, %arg6: memref<128x128xf32, #tpu.memory_space<vmem>>, %arg7: memref<1x128xf32, #tpu.memory_space<vmem>>, %arg8: memref<2x400x128xf32, #tpu.memory_space<vmem>>) attributes {dimension_semantics = [#tpu.dimension_semantics<arbitrary>], iteration_bounds = array<i64: 25>, scalar_prefetch = 0 : i64, scratch_operands = 0 : i64, tpu.core_type = #tpu.core_type<tc>, window_params = [{transform_indices = @transform_0, window_bounds = array<i64: 2, 400, 128>}, {transform_indices = @transform_1, window_bounds = array<i64: 1, 400, 128>}, {pipeline_mode = #tpu.pipeline_mode<synchronous>, transform_indices = @transform_2, window_bounds = array<i64: 128, 128>}, {pipeline_mode = #tpu.pipeline_mode<synchronous>, transform_indices = @transform_3, window_bounds = array<i64: 1, 128>}, {pipeline_mode = #tpu.pipeline_mode<synchronous>, transform_indices = @transform_4, window_bounds = array<i64: 128, 128>}, {pipeline_mode = #tpu.pipeline_mode<synchronous>, transform_indices = @transform_5, window_bounds = array<i64: 128, 128>}, {pipeline_mode = #tpu.pipeline_mode<synchronous>, transform_indices = @transform_6, window_bounds = array<i64: 1, 128>}, {transform_indices = @transform_7, window_bounds = array<i64: 2, 400, 128>}]} {
    %get3A = arith.constant 0 : index
    %get3A_0 = arith.constant 0 : index
    %get3A_1 = arith.constant 0 : index
    %get3A_2 = vector.load %arg1[%get3A, %get3A_0, %get3A_1] : memref<2x400x128xf32, #tpu.memory_space<vmem>>, vector<1x400x128xf32>
    %get3A_3 = vector.shape_cast %get3A_2 : vector<1x400x128xf32> to vector<400x128xf32>
    %get3A_4 = arith.constant 1 : index
    %get3A_5 = arith.constant 0 : index
    %get3A_6 = arith.constant 0 : index
    %get3A_7 = vector.load %arg1[%get3A_4, %get3A_5, %get3A_6] : memref<2x400x128xf32, #tpu.memory_space<vmem>>, vector<1x400x128xf32>
    %get3A_8 = vector.shape_cast %get3A_7 : vector<1x400x128xf32> to vector<400x128xf32>
    %add3A = arith.addf %get3A_3, %get3A_8 : vector<400x128xf32>
    %get3A_9 = arith.constant 0 : index
    %get3A_10 = arith.constant 0 : index
    %get3A_11 = arith.constant 0 : index
    %get3A_12 = vector.load %arg2[%get3A_9, %get3A_10, %get3A_11] : memref<1x400x128xf32, #tpu.memory_space<vmem>>, vector<1x400x128xf32>
    %slice3A = vector.extract_strided_slice %get3A_12 {offsets = [0, 0, 0], sizes = [1, 400, 1], strides = [1, 1, 1]} : vector<1x400x128xf32> to vector<1x400x1xf32>
    %squeeze3A = vector.shape_cast %slice3A : vector<1x400x1xf32> to vector<400x1xf32>
    %max3A = arith.constant 1.000000e+00 : f32
    %max3A_13 = vector.broadcast %max3A : f32 to vector<400x1xf32>
    %max3A_14 = arith.maximumf %squeeze3A, %max3A_13 : vector<400x1xf32>
    %rsqrt3A = math.rsqrt %max3A_14 : vector<400x1xf32>
    %mul3A = vector.broadcast %rsqrt3A : vector<400x1xf32> to vector<400x128xf32>
    %mul3A_15 = arith.mulf %add3A, %mul3A : vector<400x128xf32>
    %get3A_16 = arith.constant 0 : index
    %get3A_17 = arith.constant 0 : index
    %get3A_18 = vector.load %arg3[%get3A_16, %get3A_17] : memref<128x128xf32, #tpu.memory_space<vmem>>, vector<128x128xf32>
    %dot_general3A = arith.constant dense<0.000000e+00> : vector<400x128xf32>
    %dot_general3A_19 = tpu.matmul %mul3A_15, %get3A_18, %dot_general3A {dimension_numbers = #tpu.dot_dimension_numbers<[1], [0], [0], [1], [0, 0, 1, 1], [], []>, transpose_lhs_hint = false} : vector<400x128xf32>, vector<128x128xf32>, vector<400x128xf32> -> vector<400x128xf32>
    %get3A_20 = arith.constant 0 : index
    %get3A_21 = arith.constant 0 : index
    %get3A_22 = vector.load %arg4[%get3A_20, %get3A_21] : memref<1x128xf32, #tpu.memory_space<vmem>>, vector<1x128xf32>
    %add3A_23 = vector.broadcast %get3A_22 : vector<1x128xf32> to vector<400x128xf32>
    %add3A_24 = arith.addf %dot_general3A_19, %add3A_23 : vector<400x128xf32>
    %get3A_25 = arith.constant 0 : index
    %get3A_26 = arith.constant 0 : index
    %get3A_27 = vector.load %arg5[%get3A_25, %get3A_26] : memref<128x128xf32, #tpu.memory_space<vmem>>, vector<128x128xf32>
    %dot_general3A_28 = arith.constant dense<0.000000e+00> : vector<400x128xf32>
    %dot_general3A_29 = tpu.matmul %add3A_24, %get3A_27, %dot_general3A_28 {dimension_numbers = #tpu.dot_dimension_numbers<[1], [0], [0], [1], [0, 0, 1, 1], [], []>, transpose_lhs_hint = false} : vector<400x128xf32>, vector<128x128xf32>, vector<400x128xf32> -> vector<400x128xf32>
    %swap3A = arith.constant 0 : index
    %swap3A_30 = arith.constant 0 : index
    %swap3A_31 = arith.constant 0 : index
    %swap3A_32 = vector.load %arg8[%swap3A, %swap3A_30, %swap3A_31] : memref<2x400x128xf32, #tpu.memory_space<vmem>>, vector<1x400x128xf32>
    %swap3A_33 = vector.shape_cast %swap3A_32 : vector<1x400x128xf32> to vector<400x128xf32>
    %swap3A_34 = vector.shape_cast %dot_general3A_29 : vector<400x128xf32> to vector<1x400x128xf32>
    tpu.vector_store %arg8[%swap3A, %swap3A_30, %swap3A_31], %swap3A_34 {strides = array<i32>} : memref<2x400x128xf32, #tpu.memory_space<vmem>>, vector<1x400x128xf32>,
    %get3A_35 = arith.constant 0 : index
    %get3A_36 = arith.constant 0 : index
    %get3A_37 = vector.load %arg6[%get3A_35, %get3A_36] : memref<128x128xf32, #tpu.memory_space<vmem>>, vector<128x128xf32>
    %dot_general3A_38 = arith.constant dense<0.000000e+00> : vector<400x128xf32>
    %dot_general3A_39 = tpu.matmul %add3A_24, %get3A_37, %dot_general3A_38 {dimension_numbers = #tpu.dot_dimension_numbers<[1], [0], [0], [1], [0, 0, 1, 1], [], []>, transpose_lhs_hint = false} : vector<400x128xf32>, vector<128x128xf32>, vector<400x128xf32> -> vector<400x128xf32>
    %get3A_40 = arith.constant 0 : index
    %get3A_41 = arith.constant 0 : index
    %get3A_42 = vector.load %arg7[%get3A_40, %get3A_41] : memref<1x128xf32, #tpu.memory_space<vmem>>, vector<1x128xf32>
    %add3A_43 = vector.broadcast %get3A_42 : vector<1x128xf32> to vector<400x128xf32>
    %add3A_44 = arith.addf %dot_general3A_39, %add3A_43 : vector<400x128xf32>
    %swap3A_45 = arith.constant 1 : index
    %swap3A_46 = arith.constant 0 : index
    %swap3A_47 = arith.constant 0 : index
    %swap3A_48 = vector.load %arg8[%swap3A_45, %swap3A_46, %swap3A_47] : memref<2x400x128xf32, #tpu.memory_space<vmem>>, vector<1x400x128xf32>
    %swap3A_49 = vector.shape_cast %swap3A_48 : vector<1x400x128xf32> to vector<400x128xf32>
    %swap3A_50 = vector.shape_cast %add3A_44 : vector<400x128xf32> to vector<1x400x128xf32>
    tpu.vector_store %arg8[%swap3A_45, %swap3A_46, %swap3A_47], %swap3A_50 {strides = array<i32>} : memref<2x400x128xf32, #tpu.memory_space<vmem>>, vector<1x400x128xf32>,
    return
  }
  func.func @transform_0(%arg0: i32) -> (i32, i32, i32) {
    %c0_i32 = arith.constant 0 : i32
    %c0_i32_0 = arith.constant 0 : i32
    %c0_i32_1 = arith.constant 0 : i32
    return %c0_i32, %arg0, %c0_i32_0 : i32, i32, i32
  }
  func.func @transform_1(%arg0: i32) -> (i32, i32, i32) {
    %c1_i32 = arith.constant 1 : i32
    %c0_i32 = arith.constant 0 : i32
    %c0_i32_0 = arith.constant 0 : i32
    return %c1_i32, %arg0, %c0_i32 : i32, i32, i32
  }
  func.func @transform_2(%arg0: i32) -> (i32, i32) {
    %c0_i32 = arith.constant 0 : i32
    %c0_i32_0 = arith.constant 0 : i32
    %c0_i32_1 = arith.constant 0 : i32
    return %c0_i32, %c0_i32_0 : i32, i32
  }
  func.func @transform_3(%arg0: i32) -> (i32, i32) {
    %c0_i32 = arith.constant 0 : i32
    %c0_i32_0 = arith.constant 0 : i32
    %c0_i32_1 = arith.constant 0 : i32
    return %c0_i32, %c0_i32_0 : i32, i32
  }
  func.func @transform_4(%arg0: i32) -> (i32, i32) {
    %c0_i32 = arith.constant 0 : i32
    %c0_i32_0 = arith.constant 0 : i32
    %c0_i32_1 = arith.constant 0 : i32
    return %c0_i32, %c0_i32_0 : i32, i32
  }
  func.func @transform_5(%arg0: i32) -> (i32, i32) {
    %c0_i32 = arith.constant 0 : i32
    %c0_i32_0 = arith.constant 0 : i32
    %c0_i32_1 = arith.constant 0 : i32
    return %c0_i32, %c0_i32_0 : i32, i32
  }
  func.func @transform_6(%arg0: i32) -> (i32, i32) {
    %c0_i32 = arith.constant 0 : i32
    %c0_i32_0 = arith.constant 0 : i32
    %c0_i32_1 = arith.constant 0 : i32
    return %c0_i32, %c0_i32_0 : i32, i32
  }
  func.func @transform_7(%arg0: i32) -> (i32, i32, i32) {
    %c0_i32 = arith.constant 0 : i32
    %c0_i32_0 = arith.constant 0 : i32
    %c0_i32_1 = arith.constant 0 : i32
    return %c0_i32, %arg0, %c0_i32_0 : i32, i32, i32
  }
}

module attributes {stable_mosaic.version = 14 : i64} {
  func.func @_dec_body(%arg0: i32, %arg1: memref<2048x128xf32, #tpu.memory_space<vmem>>, %arg2: memref<2048x128xf32, #tpu.memory_space<vmem>>, %arg3: memref<1x128xf32, #tpu.memory_space<vmem>>, %arg4: memref<1x1xf32, #tpu.memory_space<vmem>>, %arg5: memref<2048x1xf32, #tpu.memory_space<vmem>>) attributes {dimension_semantics = [#tpu.dimension_semantics<arbitrary>], iteration_bounds = array<i64: 50>, scalar_prefetch = 0 : i64, scratch_operands = 0 : i64, tpu.core_type = #tpu.core_type<tc>, window_params = [{transform_indices = @transform_0, window_bounds = array<i64: 2048, 128>}, {transform_indices = @transform_1, window_bounds = array<i64: 2048, 128>}, {pipeline_mode = #tpu.pipeline_mode<synchronous>, transform_indices = @transform_2, window_bounds = array<i64: 1, 128>}, {pipeline_mode = #tpu.pipeline_mode<synchronous>, transform_indices = @transform_3, window_bounds = array<i64: 1, 1>}, {transform_indices = @transform_4, window_bounds = array<i64: 2048, 1>}]} {
    %get3A = arith.constant 0 : index
    %get3A_0 = arith.constant 0 : index
    %get3A_1 = vector.load %arg1[%get3A, %get3A_0] : memref<2048x128xf32, #tpu.memory_space<vmem>>, vector<2048x128xf32>
    %get3A_2 = arith.constant 0 : index
    %get3A_3 = arith.constant 0 : index
    %get3A_4 = vector.load %arg2[%get3A_2, %get3A_3] : memref<2048x128xf32, #tpu.memory_space<vmem>>, vector<2048x128xf32>
    %add3A = arith.addf %get3A_1, %get3A_4 : vector<2048x128xf32>
    %max3A = arith.constant 0.000000e+00 : f32
    %max3A_5 = vector.broadcast %max3A : f32 to vector<2048x128xf32>
    %max3A_6 = arith.maximumf %add3A, %max3A_5 : vector<2048x128xf32>
    %get3A_7 = arith.constant 0 : index
    %get3A_8 = arith.constant 0 : index
    %get3A_9 = vector.load %arg3[%get3A_7, %get3A_8] : memref<1x128xf32, #tpu.memory_space<vmem>>, vector<1x128xf32>
    %mul3A = vector.broadcast %get3A_9 : vector<1x128xf32> to vector<2048x128xf32>
    %mul3A_10 = arith.mulf %max3A_6, %mul3A : vector<2048x128xf32>
    %reduce_sum3A = arith.constant dense<0.000000e+00> : vector<2048xf32>
    %reduce_sum3A_11 = vector.multi_reduction <add>, %mul3A_10, %reduce_sum3A [1] : vector<2048x128xf32> to vector<2048xf32>
    %broadcast_in_dim3A = vector.shape_cast %reduce_sum3A_11 : vector<2048xf32> to vector<2048x1xf32>
    %get3A_12 = arith.constant 0 : index
    %get3A_13 = arith.constant 0 : index
    %get3A_14 = vector.load %arg4[%get3A_12, %get3A_13] : memref<1x1xf32, #tpu.memory_space<vmem>>, vector<1x1xf32>
    %add3A_15 = vector.broadcast %get3A_14 : vector<1x1xf32> to vector<2048x1xf32>
    %add3A_16 = arith.addf %broadcast_in_dim3A, %add3A_15 : vector<2048x1xf32>
    %swap3A = arith.constant 0 : index
    %swap3A_17 = arith.constant 0 : index
    %swap3A_18 = vector.load %arg5[%swap3A, %swap3A_17] : memref<2048x1xf32, #tpu.memory_space<vmem>>, vector<2048x1xf32>
    tpu.vector_store %arg5[%swap3A, %swap3A_17], %add3A_16 {strides = array<i32>} : memref<2048x1xf32, #tpu.memory_space<vmem>>, vector<2048x1xf32>,
    return
  }
  func.func @transform_0(%arg0: i32) -> (i32, i32) {
    %c0_i32 = arith.constant 0 : i32
    %c0_i32_0 = arith.constant 0 : i32
    return %arg0, %c0_i32 : i32, i32
  }
  func.func @transform_1(%arg0: i32) -> (i32, i32) {
    %c0_i32 = arith.constant 0 : i32
    %c0_i32_0 = arith.constant 0 : i32
    return %arg0, %c0_i32 : i32, i32
  }
  func.func @transform_2(%arg0: i32) -> (i32, i32) {
    %c0_i32 = arith.constant 0 : i32
    %c0_i32_0 = arith.constant 0 : i32
    %c0_i32_1 = arith.constant 0 : i32
    return %c0_i32, %c0_i32_0 : i32, i32
  }
  func.func @transform_3(%arg0: i32) -> (i32, i32) {
    %c0_i32 = arith.constant 0 : i32
    %c0_i32_0 = arith.constant 0 : i32
    %c0_i32_1 = arith.constant 0 : i32
    return %c0_i32, %c0_i32_0 : i32, i32
  }
  func.func @transform_4(%arg0: i32) -> (i32, i32) {
    %c0_i32 = arith.constant 0 : i32
    %c0_i32_0 = arith.constant 0 : i32
    return %arg0, %c0_i32 : i32, i32
  }
}

</mosaic_0001>

<sc_bundles>
// kernel: kernel.10.cloned.1.call-start
scs
__scs_entry_jumppad:
0x0: {  	(pc) =	sbr.rel $0x88, $3  }
0x1: {  	(tag) =	ssettag $0x0;
	lr =	simm.s32 $0x1  }
0x2: {  	[smem:$0x3F95] =	sst lr;
	_ =	strace $0xD0000000  }
0x3: {  	_ = 	snop  }
0x4: {  	_ = 	snop  }
0x5: {  	_ = 	snop  }
0x6: {  	_ = 	snop  }
0x7: {  	_ = 	snop  }
__scs_overlays_trampoline_lowered:
0x8: {  	[smem:$0x3FA4] =	sst s0  }
0x9: {  	[smem:$0x3FA5] =	sst s1  }
0xa: {  	[smem:$0x3FA6] =	sst s2  }
0xb: {  	[smem:$0x3FA7] =	sst s3  }
0xc: {  	[smem:$0x3FA8] =	sst s4  }
0xd: {  	[smem:$0x3FA9] =	sst s5  }
0xe: {  	[smem:$0x3FAA] =	sst s6  }
0xf: {  	[smem:$0x3FAB] =	sst s7  }
0x10: {  	[smem:$0x3FAC] =	sst s8  }
0x11: {  	[smem:$0x3FAD] =	sst s9;
	s0 =	simm.s32 @!p0 $0x0  }
0x12: {  	s1 =	sld [smem:$0x3F93];
	s0 =	simm.s32 @p0 $0x1  }
0x13: {  	[smem:$0x3FAE] =	sst s0;
	s0 =	simm.s32 @!p1 $0x0  }
0x14: {  	s2 =	sld [smem:$0x3F92];
	s0 =	simm.s32 @p1 $0x1  }
0x15: {  	[smem:$0x3FAF] =	sst s0;
	s0 =	simm.s32 @!p2 $0x0  }
0x16: {  	s3 =	sld [smem:$0x3FDB];
	s0 =	simm.s32 @p2 $0x1  }
0x17: {  	s4 =	simm.s32 $0x1BF5;
	[smem:$0x3FB1] =	sst s0  }
0x18: {  	s0 =	sld [smem:$0x3F94];
	_ =	swait.ge [sflag:s4], $0x0  }
0x19: {  	s7 =	sld [smem:$0x3F95]  }
0x1a: {  	s8 =	sadd.s32 $0xFFFFE003, lr  }
0x1b: {  	s9 =	sadd.s32 $0xFFFFFEF7, lr;
	s5 =	simm.s32 $0xFFFFFFFF;
	p2 =	slt.u32 s8, $0xFFFFF086  }
0x1c: {  	p1 =	slt.u32 s9, $0xF7A;
	s5 =	simm.s32 @!p2 $0x0  }
0x1d: {  	s5 =	simm.s32 @p1 $0x1;
	p0 =	seq.s32 s7, s2  }
0x1e: {  	s7 =	smul.u32 @!p0 $0xF7A, s2;
	p2 =	seq.s32 @!p0 s5, $0x0  }
0x1f: {  	s9 =	smul.u32 $0xF7A, s1;
	s8 =	simm.s32 @!p0 $0x1BF5;
	p2 =	por !p2, p0  }
0x20: {  	[sflag:s8] =	ssyncset.s32 @!p0 $0xFFFFF086;
	s6 =	sadd.s32 @!p0 s3, s7;
	s7 =	simm.s32 @!p0 $0x108  }
0x21: {  	s3 =	sadd.s32 s3, s9;
	s6 =	sadd.s32 @!p0 $0x88, s6;
	s7 =	simm.s32 @p2 $0x1082  }
0x22: {  	[simem:s7], [sflag:s8] =	dma.local @!p0 [hbm:s6], $0xF7A  }
0x23: {  	s9 =	sor.u32 $0xD0000000, s2;
	s6 =	simm.s32 $0x108;
	_ =	swait.ge @!p0 [sflag:s8], $0x0  }
0x24: {  	s3 =	sadd.s32 $0x88, s3;
	s6 =	simm.s32 @!p1 $0x1082;
	[sflag:s4] =	ssyncset.s32 $0xFFFFF086  }
0x25: {  	[simem:s6], [sflag:s4] =	dma.local [hbm:s3], $0xF7A  }
0x26: {  	[smem:$0x3F95] =	sst s1;
	(tag) =	ssettag s2;
	_ =	strace s9  }
0x27: {  	s1 =	sld [smem:$0x3FA5]  }
0x28: {  	s2 =	sld [smem:$0x3FA6]  }
0x29: {  	s4 =	sld [smem:$0x3FA8]  }
0x2a: {  	p0 =	seq.s32 s5, $0x0;
	s5 =	sld [smem:$0x3FA9]  }
0x2b: {  	s6 =	sld [smem:$0x3FAA]  }
0x2c: {  	s7 =	sld [smem:$0x3FAB]  }
0x2d: {  	s3 =	simm.s32 $0x108;
	s8 =	sld [smem:$0x3FAC]  }
0x2e: {  	s3 =	simm.s32 @!p0 $0x1082;
	s9 =	sld [smem:$0x3FAD]  }
0x2f: {  	lr =	sadd.s32 s0, s3;
	s0 =	sld [smem:$0x3FA4]  }
0x30: {  	s3 =	sld [smem:$0x3FA7]  }
0x31: {  	[smem:$0x3FB0] =	sst s10  }
0x32: {  	s10 =	sld [smem:$0x3FAE];
	_ =	sdelay $0x3  }
0x33: {  	p0 =	seq.s32 s10, $0x1;
	s10 =	sld [smem:$0x3FB0];
	_ =	sdelay $0x3  }
0x34: {  	[smem:$0x3FB0] =	sst s10  }
0x35: {  	s10 =	sld [smem:$0x3FAF];
	_ =	sdelay $0x3  }
0x36: {  	p1 =	seq.s32 s10, $0x1;
	s10 =	sld [smem:$0x3FB0];
	_ =	sdelay $0x3  }
0x37: {  	[smem:$0x3FB0] =	sst s10  }
0x38: {  	s10 =	sld [smem:$0x3FB1]  }
0x39: {  	_ = 	snop;
	(pc) =	sbr.ind lr, $3  }
0x3a: {  	_ = 	snop  }
0x3b: {  	_ = 	snop  }
0x3c: {  	p2 =	seq.s32 s10, $0x1;
	s10 =	sld [smem:$0x3FB0]  }
0x3d: {  	_ =	shalt  }
0x3e: {  	_ =	shalt  }
0x3f: {  	_ =	shalt  }
0x40: {  	_ =	shalt  }
0x41: {  	_ =	shalt  }
0x42: {  	_ =	shalt  }
0x43: {  	_ =	shalt  }
0x44: {  	_ =	shalt  }
0x45: {  	_ =	shalt  }
0x46: {  	_ =	shalt  }
0x47: {  	_ =	shalt  }
0x48: {  	_ =	shalt  }
0x49: {  	_ =	shalt  }
0x4a: {  	_ =	shalt  }
0x4b: {  	_ =	shalt  }
0x4c: {  	_ =	shalt  }
0x4d: {  	_ =	shalt  }
0x4e: {  	_ =	shalt  }
0x4f: {  	_ =	shalt  }
0x50: {  	_ =	shalt  }
0x51: {  	_ =	shalt  }
0x52: {  	_ =	shalt  }
0x53: {  	_ =	shalt  }
0x54: {  	_ =	shalt  }
0x55: {  	_ =	shalt  }
0x56: {  	_ =	shalt  }
0x57: {  	_ =	shalt  }
0x58: {  	_ =	shalt  }
0x59: {  	_ =	shalt  }
0x5a: {  	_ =	shalt  }
0x5b: {  	_ =	shalt  }
0x5c: {  	_ =	shalt  }
0x5d: {  	_ =	shalt  }
0x5e: {  	_ =	shalt  }
0x5f: {  	_ =	shalt  }
0x60: {  	_ =	shalt  }
0x61: {  	_ =	shalt  }
0x62: {  	_ =	shalt  }
0x63: {  	_ =	shalt  }
0x64: {  	_ =	shalt  }
0x65: {  	_ =	shalt  }
0x66: {  	_ =	shalt  }
0x67: {  	_ =	shalt  }
0x68: {  	_ =	shalt  }
0x69: {  	_ =	shalt  }
0x6a: {  	_ =	shalt  }
0x6b: {  	_ =	shalt  }
0x6c: {  	_ =	shalt  }
0x6d: {  	_ =	shalt  }
0x6e: {  	_ =	shalt  }
0x6f: {  	_ =	shalt  }
0x70: {  	_ =	shalt  }
0x71: {  	_ =	shalt  }
0x72: {  	_ =	shalt  }
0x73: {  	_ =	shalt  }
0x74: {  	_ =	shalt  }
0x75: {  	_ =	shalt  }
0x76: {  	_ =	shalt  }
0x77: {  	_ =	shalt  }
0x78: {  	_ =	shalt  }
0x79: {  	_ =	shalt  }
0x7a: {  	_ =	shalt  }
0x7b: {  	_ =	shalt  }
0x7c: {  	_ =	shalt  }
0x7d: {  	_ =	shalt  }
0x7e: {  	_ =	shalt  }
0x7f: {  	_ =	shalt  }
0x80: {  	_ =	shalt  }
0x81: {  	_ =	shalt  }
0x82: {  	_ =	shalt  }
0x83: {  	_ =	shalt  }
0x84: {  	_ =	shalt  }
0x85: {  	_ =	shalt  }
0x86: {  	_ =	shalt  }
0x87: {  	_ =	shalt  }
.Lfunc_end0:
.L_simem_size_0:
called_computation_lowered:
.L_overlay_start_0:
0x88: {  	s2 =	sld [smem:$0x3FD9]  }
0x89: {  	s3 =	sld [smem:$0x3FFE];
	_ =	sdelay $0x1  }
0x8a: {  	s1 =	srdreg.scid  }
0x8b: {  	s0 =	sand.u32 $0x1, s1  }
0x8c: {  	s17 =	sshll.u32 s0, $0xA;
	s2 =	sadd.s32 s3, s2  }
0x8d: {  	s2 =	sadd.s32 s2, s17  }
0x8e: {  	[smem:$0x3FBC] =	sst s2  }
0x8f: {  	_ = 	snop  }
0x90: {  	s2 =	sld [smem:$0x3FD0];
	(tm) =	ssettm $0x1  }
0x91: {  	s18 =	sld [smem:$0x3FFB];
	_ =	sdelay $0x3  }
0x92: {  	_ =	strace s18  }
0x93: {  	s3 =	sld [smem:$0x3FFC];
	_ =	sdelay $0x3  }
0x94: {  	_ =	strace s3  }
0x95: {  	s3 =	sld [smem:$0x3FFD];
	_ =	sdelay $0x3  }
0x96: {  	_ =	strace s3  }
0x97: {  	_ =	strace $0x8FFFFFFF  }
0x98: {  	s19 =	sld [smem:$0x3FDB];
	_ =	sdelay $0x1  }
0x99: {  	s4 =	simm.s32 $_scs_section_size  }
0x9a: {  	s5 =	simm.s32 $_size__tile_overlayer_lowered;
	s6 =	simm.s32 $_tile_overlayer_lowered  }
0x9b: {  	s22 =	simm.s32 $0x1BFF;
	s21 =	sshll.u32 s6, $0x1;
	s3 =	sadd.s32 s4, s19  }
0x9c: {  	s7 =	simm.s32 $0x0;
	s20 =	sshll.u32 s5, $0x1;
	s5 =	sadd.s32 s21, s3  }
0x9d: {  	[timem:s7], [sflag:s22] =	dma.local [hbm:s5], s20  }
0x9e: {  	_ =	swait.ge [sflag:s22], s20  }
0x9f: {  	s4 =	ssub.s32 $0x0, s20;
	[sflag:s22] =	ssyncset.done $0x0  }
0xa0: {  	[sflag:s22] =	ssyncadd.s32 s4;
	_ =	sdelay $0x1  }
0xa1: {  	s23 =	simm.s32 $0x1B8B  }
0xa2: {  	_ =	swait.ge [sflag:s23], $0x1  }
0xa3: {  	[sflag:s23] =	ssyncset.done $0x0  }
0xa4: {  	s25 =	simm.s32 $0x1B8E;
	s24 =	sld [smem:$0x3FFE];
	[sflag:s23] =	ssyncadd.s32 $0xFFFFFFFF  }
0xa5: {  	s26 =	simm.s32 $execute0_lowered;
	[smem:$0x3FD2] =	sst s25  }
0xa6: {  	s5 =	sshll.u32 s26, $0x1;
	_ =	strace $0x80000046;
	[dreg:$0x1] =	wrdreg $0xFFFFFFFF  }
0xa7: {  	s28 =	simm.s32 $_size_execute0_lowered;
	s3 =	sadd.s32 s3, s5;
	[dreg:$0x0] =	wrdreg $0x0  }
0xa8: {  	s5 =	sshll.u32 s28, $0x1;
	[dreg:$0x2] =	wrdreg s3  }
0xa9: {  	[dreg:$0x3] =	wrdreg s5  }
0xaa: {  	[dreg:$0x4] =	wrdreg $0xC0  }
0xab: {  	_ =	task [dreg:s7], $0x5FFFF  }
0xac: {  	[dreg:$0x1] =	wrdreg $0xFFFFFFFF  }
0xad: {  	[dreg:$0x0] =	wrdreg $0x60  }
0xae: {  	[dreg:$0x2] =	wrdreg s24  }
0xaf: {  	[dreg:$0x3] =	wrdreg s2  }
0xb0: {  	[dreg:$0x4] =	wrdreg $0x0  }
0xb1: {  	[dreg:$0x5] =	wrdreg $0x9  }
0xb2: {  	_ =	task.clear_ibuf [dreg:s7], $0x6FFFF;
	_ =	strace $0x90000046  }
0xb3: {  	s29 =	simm.s32 $0x9;
	_ =	strace $0x80000048  }
0xb4: {  	_ =	swait.ge [sflag:s29], $0x1  }
0xb5: {  	[sflag:s29] =	ssyncadd.s32 $0xFFFFFFFF  }
0xb6: {  	_ =	strace $0x90000048  }
0xb7: {  	_ =	sfence  }
0xb8: {  	s30 =	sld [smem:$0x0];
	_ =	sdelay $0x2  }
0xb9: {  	s31 =	sshll.u32 s1, $0xD;
	s1 =	sshrl.u32 s1, $0x2  }
0xba: {  	s3 =	sand.u32 $0x4000, s31;
	s1 =	sadd.s32 s1, s30  }
0xbb: {  	s0 =	sor.u32 s3, s0;
	s1 =	sshll.u32 s1, $0x11  }
0xbc: {  	s0 =	sor.u32 s1, s0  }
0xbd: {  	s0 =	sadd.s32 $0x8F2B, s0  }
0xbe: {  	[sflag:s0] =	ssyncadd.remote.s32 $0x1  }
0xbf: {  	_ =	sfence.sel $0xFFFF  }
0xc0: {  	[dreg:$0x0] =	wrdreg $0xFFFFFFFF;
	(pc) =	sbr.abs _section_cstart, $3  }
0xc1: {  	[dreg:$0x1] =	wrdreg $0xFFFFFFFF  }
0xc2: {  	_ =	task.clear_ibuf [dreg:s7], $0x2FFFF;
	_ =	strace $0x9FFFFFFF  }
0xc3: {  	(tm) =	ssettm $0x7FFFFFFF  }
tec
execute0_lowered:
.L_overlay_start_1:
0x0: {  	(tag) =	ssettag $0x1  }
0x1: {  	s6 =	rddreg [dreg:$0x0]  }
0x2: {  	s2 =	rddreg [dreg:$0x1]  }
0x3: {  	s3 =	rddreg [dreg:$0x2]  }
0x4: {  	s0 =	rddreg [dreg:$0x3]  }
0x5: {  	s1 =	stileid.u32;
	s5 =	srdreg.scid  }
0x6: {  	s4 =	simm.s32 $0x0;
	s13 =	simm.s32 $0x1C000;
	s14 =	simm.s32 $0x50  }
0x7: {  	s15 =	simm.s32 $0x0;
	s7 =	sand.u32 $0x1, s5;
	s29 =	smul.u32 $0x2800, s1  }
0x8: {  	[smem:$0x7FF] =	sst s4;
	s8 =	sshll.u32 s1, $0xC;
	s12 =	smul.u32 $0x50000, s1  }
0x9: {  	s5 =	sadd.s32 $0x22A00, s6;
	s31 =	sshll.u32 s1, $0x6;
	s9 =	smul.u32 $0x28000, s7  }
0xa: {  	_ =	strace $0x80000047;
	s8 =	sadd.s32 s8, s6;
	s10 =	ssub.s32 $0x2, s7  }
0xb: {  	s7 =	sshll.u32 s7, $0x10;
	s11 =	sshrl.u32 s10, $0x1;
	s30 =	sshrl.u32 s12, $0x2  }
0xc: {  	s7 =	sadd.s32 s7, s8;
	s9 =	sadd.s32 s29, s9;
	s10 =	ssub.s32 s10, s11  }
0xd: {  	s12 =	sadd.s32 s30, s3;
	s7 =	sadd.s32 $0x2A00, s7;
	s9 =	sadd.s32 s9, s6  }
0xe: {  	s11 =	simm.s32 $0x1;
	s6 =	sor.u32 $0x1C01, s31;
	s8 =	sadd.s32 $0x23000, s9  }
0xf: {  	s9 =	smax.u32 s10, $0x1;
	s10 =	sshrl.u32 s12, $0x3;
	s12 =	simm.s32 $0x14000  }
.LBB2_1:
0x10: {  	[spmem:s10], [sflag:s6] =	dma.local [hbm:s2], $0x2800  }
0x11: {  	_ =	swait.ge [sflag:s11], $0x2800  }
0x12: {  	[sflag:s11] =	ssyncset.done $0x0  }
0x13: {  	[sflag:s11] =	ssyncadd.s32 $0xFFFFD800  }
0x14: {  	[tilespmem:s12], [sflag:$0x1] =	stream.linear.gather [hbm4b:s7+s4], $0x7D00, $0x38;
	[tilespmem:$0x1E800] =	vst v63  }
0x15: {  	_ =	swait.ge [sflag:s11], $0x7D00  }
0x16: {  	[sflag:s11] =	ssyncset.done $0x0  }
0x17: {  	[sflag:s11] =	ssyncadd.s32 $0xFFFF8300  }
0x18: {  	[tilespmem:s13], [sflag:$0x1] =	stream.linear.gather [hbm4b:s5+s4], $0x2800, $0x38;
	[tilespmem:$0x1E800] =	vst v63  }
0x19: {  	_ =	swait.ge [sflag:s11], $0x2800  }
0x1a: {  	[sflag:s11] =	ssyncset.done $0x0  }
0x1b: {  	[sflag:s11] =	ssyncadd.s32 $0xFFFFD800  }
0x1c: {  	s16 =	simm.s32 $0x14000;
	[bflag:$0x0] =	sbarrier.arrive $0xFFFF  }
0x1d: {  	[spmem:s3] =	stream.indirect.scatter.add.f32 [tilespmem:s13], [sflag:$0x1], $0x80, s16, s14, $0xb8;
	[tilespmem:$0x1E800] =	vst v63  }
0x1e: {  	s16 =	simm.s32 $0x200;
	_ =	swait.ge [sflag:s11], $0x2800  }
.LBB2_2:
0x1f: {  	s17 =	sshra.s32 s16, $0x2;
	[sflag:s11] =	ssyncset.done $0x0;
	p0 =	sne.s32 s16, $0x1F200  }
.Ltmp0:
0x20: {  	s17 =	sadd.s32 $0x14000, s17;
	[sflag:s11] =	ssyncadd.s32 $0xFFFFD800;
	(pc) =	sbr.rel @p0 .LBB2_2-.Ltmp0, $3  }
0x21: {  	[spmem:s3] =	stream.indirect.scatter.add.f32 [tilespmem:s13], [sflag:$0x1], $0x80, s17, s14, $0xb8;
	[tilespmem:$0x1E800] =	vst v63  }
0x22: {  	s16 =	sadd.s32 $0x200, s16;
	_ =	sdelay $0x1  }
0x23: {  	_ =	swait.ge [sflag:s11], $0x2800  }
0x24: {  	[sflag:s11] =	ssyncset.done $0x0;
	s15 =	sadd.s32 $0x1, s15  }
0x25: {  	[sflag:s11] =	ssyncadd.s32 $0xFFFFD800;
	p0 =	sne.s32 s15, s9  }
.Ltmp1:
0x26: {  	[bflag:$0x0] =	sbarrier.arrive $0xFFFF;
	(pc) =	sbr.rel @p0 .LBB2_1-.Ltmp1, $4  }
0x27: {  	[hbm:s8], [sflag:s6] =	dma.local [spmem:s10], $0x2800  }
0x28: {  	_ =	swait.ge [sflag:s11], $0x2800  }
0x29: {  	[sflag:s11] =	ssyncset.done $0x0  }
0x2a: {  	[sflag:s11] =	ssyncadd.s32 $0xFFFFD800  }
0x2b: {  	_ =	sfence.sel $0x180000  }
0x2c: {  	[bflag:$0x0] =	sbarrier.arrive $0xFFFF  }
0x2d: {  	p0 =	sne.s32 s1, $0x0;
	_ =	strace $0x90000047  }
0x2e: {  	s0 =	sadd.s32 @!p0 $0x100000, s0;
	[bflag:$0x2] =	sbarrier.arrive $0xFFFF  }
0x2f: {  	[sflag:s0] =	ssyncadd.tile.s32 @!p0 $0x1;
	_ =	shalt  }
.Lfunc_end2:
_tile_overlayer_lowered:
.L_overlay_start_2:
0x30: {  	(tag) =	ssettag $0x2  }
0x31: {  	s0 =	rddreg [dreg:$0x0];
	s2 =	stileid.u32  }
0x32: {  	s1 =	rddreg [dreg:$0x1];
	p0 =	sne.s32 s2, $0x0  }
0x33: {  	s3 =	rddreg [dreg:$0x2];
	[bflag:$0x3] =	sbarrier.arrive $0xFFFF;
	s2 =	simm.s32 @!p0 $0x1C01  }
0x34: {  	[timem:s3], [sflag:s2] =	dma.local @!p0 [hbm:s0], s1  }
0x35: {  	s0 =	simm.s32 @!p0 $0x1  }
0x36: {  	_ =	swait.ge @!p0 [sflag:s0], s1  }
0x37: {  	s1 =	ssub.s32 @!p0 $0x0, s1;
	[sflag:s0] =	ssyncset.done @!p0 $0x0  }
0x38: {  	[sflag:s0] =	ssyncadd.s32 @!p0 s1  }
0x39: {  	[bflag:$0x3] =	sbarrier.arrive $0xFFFF  }
0x3a: {  	_ =	shalt  }

// kernel: kernel.13.cloned.1.call-start
scs
__scs_entry_jumppad:
0x0: {  	(pc) =	sbr.rel $0x88, $3  }
0x1: {  	(tag) =	ssettag $0x0;
	lr =	simm.s32 $0x1  }
0x2: {  	[smem:$0x3F95] =	sst lr;
	_ =	strace $0xD0000000  }
0x3: {  	_ = 	snop  }
0x4: {  	_ = 	snop  }
0x5: {  	_ = 	snop  }
0x6: {  	_ = 	snop  }
0x7: {  	_ = 	snop  }
__scs_overlays_trampoline_lowered:
0x8: {  	[smem:$0x3FA4] =	sst s0  }
0x9: {  	[smem:$0x3FA5] =	sst s1  }
0xa: {  	[smem:$0x3FA6] =	sst s2  }
0xb: {  	[smem:$0x3FA7] =	sst s3  }
0xc: {  	[smem:$0x3FA8] =	sst s4  }
0xd: {  	[smem:$0x3FA9] =	sst s5  }
0xe: {  	[smem:$0x3FAA] =	sst s6  }
0xf: {  	[smem:$0x3FAB] =	sst s7  }
0x10: {  	[smem:$0x3FAC] =	sst s8  }
0x11: {  	[smem:$0x3FAD] =	sst s9;
	s0 =	simm.s32 @!p0 $0x0  }
0x12: {  	s1 =	sld [smem:$0x3F93];
	s0 =	simm.s32 @p0 $0x1  }
0x13: {  	[smem:$0x3FAE] =	sst s0;
	s0 =	simm.s32 @!p1 $0x0  }
0x14: {  	s2 =	sld [smem:$0x3F92];
	s0 =	simm.s32 @p1 $0x1  }
0x15: {  	[smem:$0x3FAF] =	sst s0;
	s0 =	simm.s32 @!p2 $0x0  }
0x16: {  	s3 =	sld [smem:$0x3FDB];
	s0 =	simm.s32 @p2 $0x1  }
0x17: {  	s4 =	simm.s32 $0x1BF5;
	[smem:$0x3FB1] =	sst s0  }
0x18: {  	s0 =	sld [smem:$0x3F94];
	_ =	swait.ge [sflag:s4], $0x0  }
0x19: {  	s7 =	sld [smem:$0x3F95]  }
0x1a: {  	s8 =	sadd.s32 $0xFFFFE003, lr  }
0x1b: {  	s9 =	sadd.s32 $0xFFFFFEF7, lr;
	s5 =	simm.s32 $0xFFFFFFFF;
	p2 =	slt.u32 s8, $0xFFFFF086  }
0x1c: {  	p1 =	slt.u32 s9, $0xF7A;
	s5 =	simm.s32 @!p2 $0x0  }
0x1d: {  	s5 =	simm.s32 @p1 $0x1;
	p0 =	seq.s32 s7, s2  }
0x1e: {  	s7 =	smul.u32 @!p0 $0xF7A, s2;
	p2 =	seq.s32 @!p0 s5, $0x0  }
0x1f: {  	s9 =	smul.u32 $0xF7A, s1;
	s8 =	simm.s32 @!p0 $0x1BF5;
	p2 =	por !p2, p0  }
0x20: {  	[sflag:s8] =	ssyncset.s32 @!p0 $0xFFFFF086;
	s6 =	sadd.s32 @!p0 s3, s7;
	s7 =	simm.s32 @!p0 $0x108  }
0x21: {  	s3 =	sadd.s32 s3, s9;
	s6 =	sadd.s32 @!p0 $0x88, s6;
	s7 =	simm.s32 @p2 $0x1082  }
0x22: {  	[simem:s7], [sflag:s8] =	dma.local @!p0 [hbm:s6], $0xF7A  }
0x23: {  	s9 =	sor.u32 $0xD0000000, s2;
	s6 =	simm.s32 $0x108;
	_ =	swait.ge @!p0 [sflag:s8], $0x0  }
0x24: {  	s3 =	sadd.s32 $0x88, s3;
	s6 =	simm.s32 @!p1 $0x1082;
	[sflag:s4] =	ssyncset.s32 $0xFFFFF086  }
0x25: {  	[simem:s6], [sflag:s4] =	dma.local [hbm:s3], $0xF7A  }
0x26: {  	[smem:$0x3F95] =	sst s1;
	(tag) =	ssettag s2;
	_ =	strace s9  }
0x27: {  	s1 =	sld [smem:$0x3FA5]  }
0x28: {  	s2 =	sld [smem:$0x3FA6]  }
0x29: {  	s4 =	sld [smem:$0x3FA8]  }
0x2a: {  	p0 =	seq.s32 s5, $0x0;
	s5 =	sld [smem:$0x3FA9]  }
0x2b: {  	s6 =	sld [smem:$0x3FAA]  }
0x2c: {  	s7 =	sld [smem:$0x3FAB]  }
0x2d: {  	s3 =	simm.s32 $0x108;
	s8 =	sld [smem:$0x3FAC]  }
0x2e: {  	s3 =	simm.s32 @!p0 $0x1082;
	s9 =	sld [smem:$0x3FAD]  }
0x2f: {  	lr =	sadd.s32 s0, s3;
	s0 =	sld [smem:$0x3FA4]  }
0x30: {  	s3 =	sld [smem:$0x3FA7]  }
0x31: {  	[smem:$0x3FB0] =	sst s10  }
0x32: {  	s10 =	sld [smem:$0x3FAE];
	_ =	sdelay $0x3  }
0x33: {  	p0 =	seq.s32 s10, $0x1;
	s10 =	sld [smem:$0x3FB0];
	_ =	sdelay $0x3  }
0x34: {  	[smem:$0x3FB0] =	sst s10  }
0x35: {  	s10 =	sld [smem:$0x3FAF];
	_ =	sdelay $0x3  }
0x36: {  	p1 =	seq.s32 s10, $0x1;
	s10 =	sld [smem:$0x3FB0];
	_ =	sdelay $0x3  }
0x37: {  	[smem:$0x3FB0] =	sst s10  }
0x38: {  	s10 =	sld [smem:$0x3FB1]  }
0x39: {  	_ = 	snop;
	(pc) =	sbr.ind lr, $3  }
0x3a: {  	_ = 	snop  }
0x3b: {  	_ = 	snop  }
0x3c: {  	p2 =	seq.s32 s10, $0x1;
	s10 =	sld [smem:$0x3FB0]  }
0x3d: {  	_ =	shalt  }
0x3e: {  	_ =	shalt  }
0x3f: {  	_ =	shalt  }
0x40: {  	_ =	shalt  }
0x41: {  	_ =	shalt  }
0x42: {  	_ =	shalt  }
0x43: {  	_ =	shalt  }
0x44: {  	_ =	shalt  }
0x45: {  	_ =	shalt  }
0x46: {  	_ =	shalt  }
0x47: {  	_ =	shalt  }
0x48: {  	_ =	shalt  }
0x49: {  	_ =	shalt  }
0x4a: {  	_ =	shalt  }
0x4b: {  	_ =	shalt  }
0x4c: {  	_ =	shalt  }
0x4d: {  	_ =	shalt  }
0x4e: {  	_ =	shalt  }
0x4f: {  	_ =	shalt  }
0x50: {  	_ =	shalt  }
0x51: {  	_ =	shalt  }
0x52: {  	_ =	shalt  }
0x53: {  	_ =	shalt  }
0x54: {  	_ =	shalt  }
0x55: {  	_ =	shalt  }
0x56: {  	_ =	shalt  }
0x57: {  	_ =	shalt  }
0x58: {  	_ =	shalt  }
0x59: {  	_ =	shalt  }
0x5a: {  	_ =	shalt  }
0x5b: {  	_ =	shalt  }
0x5c: {  	_ =	shalt  }
0x5d: {  	_ =	shalt  }
0x5e: {  	_ =	shalt  }
0x5f: {  	_ =	shalt  }
0x60: {  	_ =	shalt  }
0x61: {  	_ =	shalt  }
0x62: {  	_ =	shalt  }
0x63: {  	_ =	shalt  }
0x64: {  	_ =	shalt  }
0x65: {  	_ =	shalt  }
0x66: {  	_ =	shalt  }
0x67: {  	_ =	shalt  }
0x68: {  	_ =	shalt  }
0x69: {  	_ =	shalt  }
0x6a: {  	_ =	shalt  }
0x6b: {  	_ =	shalt  }
0x6c: {  	_ =	shalt  }
0x6d: {  	_ =	shalt  }
0x6e: {  	_ =	shalt  }
0x6f: {  	_ =	shalt  }
0x70: {  	_ =	shalt  }
0x71: {  	_ =	shalt  }
0x72: {  	_ =	shalt  }
0x73: {  	_ =	shalt  }
0x74: {  	_ =	shalt  }
0x75: {  	_ =	shalt  }
0x76: {  	_ =	shalt  }
0x77: {  	_ =	shalt  }
0x78: {  	_ =	shalt  }
0x79: {  	_ =	shalt  }
0x7a: {  	_ =	shalt  }
0x7b: {  	_ =	shalt  }
0x7c: {  	_ =	shalt  }
0x7d: {  	_ =	shalt  }
0x7e: {  	_ =	shalt  }
0x7f: {  	_ =	shalt  }
0x80: {  	_ =	shalt  }
0x81: {  	_ =	shalt  }
0x82: {  	_ =	shalt  }
0x83: {  	_ =	shalt  }
0x84: {  	_ =	shalt  }
0x85: {  	_ =	shalt  }
0x86: {  	_ =	shalt  }
0x87: {  	_ =	shalt  }
.Lfunc_end0:
.L_simem_size_0:
called_computation.1_lowered:
.L_overlay_start_0:
0x88: {  	s2 =	sld [smem:$0x3FD9]  }
0x89: {  	s3 =	sld [smem:$0x3FFE];
	_ =	sdelay $0x1  }
0x8a: {  	s1 =	srdreg.scid  }
0x8b: {  	s0 =	sand.u32 $0x1, s1  }
0x8c: {  	s17 =	sshll.u32 s0, $0xA;
	s2 =	sadd.s32 s3, s2  }
0x8d: {  	s2 =	sadd.s32 s2, s17  }
0x8e: {  	[smem:$0x3FBC] =	sst s2  }
0x8f: {  	_ = 	snop  }
0x90: {  	s2 =	sld [smem:$0x3FD0];
	(tm) =	ssettm $0x1  }
0x91: {  	s18 =	sld [smem:$0x3FFB];
	_ =	sdelay $0x3  }
0x92: {  	_ =	strace s18  }
0x93: {  	s3 =	sld [smem:$0x3FFC];
	_ =	sdelay $0x3  }
0x94: {  	_ =	strace s3  }
0x95: {  	s3 =	sld [smem:$0x3FFD];
	_ =	sdelay $0x3  }
0x96: {  	_ =	strace s3  }
0x97: {  	_ =	strace $0x8FFFFFFF  }
0x98: {  	s19 =	sld [smem:$0x3FDB];
	_ =	sdelay $0x1  }
0x99: {  	s4 =	simm.s32 $_scs_section_size  }
0x9a: {  	s5 =	simm.s32 $_size__tile_overlayer_lowered;
	s6 =	simm.s32 $_tile_overlayer_lowered  }
0x9b: {  	s22 =	simm.s32 $0x1BFF;
	s21 =	sshll.u32 s6, $0x1;
	s3 =	sadd.s32 s4, s19  }
0x9c: {  	s7 =	simm.s32 $0x0;
	s20 =	sshll.u32 s5, $0x1;
	s5 =	sadd.s32 s21, s3  }
0x9d: {  	[timem:s7], [sflag:s22] =	dma.local [hbm:s5], s20  }
0x9e: {  	_ =	swait.ge [sflag:s22], s20  }
0x9f: {  	s4 =	ssub.s32 $0x0, s20;
	[sflag:s22] =	ssyncset.done $0x0  }
0xa0: {  	[sflag:s22] =	ssyncadd.s32 s4;
	_ =	sdelay $0x1  }
0xa1: {  	s23 =	simm.s32 $0x1B8B  }
0xa2: {  	_ =	swait.ge [sflag:s23], $0x1  }
0xa3: {  	[sflag:s23] =	ssyncset.done $0x0  }
0xa4: {  	s25 =	simm.s32 $0x1B8E;
	s24 =	sld [smem:$0x3FFE];
	[sflag:s23] =	ssyncadd.s32 $0xFFFFFFFF  }
0xa5: {  	s26 =	simm.s32 $execute0_lowered;
	[smem:$0x3FD2] =	sst s25  }
0xa6: {  	s5 =	sshll.u32 s26, $0x1;
	_ =	strace $0x80000049;
	[dreg:$0x1] =	wrdreg $0xFFFFFFFF  }
0xa7: {  	s28 =	simm.s32 $_size_execute0_lowered;
	s3 =	sadd.s32 s3, s5;
	[dreg:$0x0] =	wrdreg $0x0  }
0xa8: {  	s5 =	sshll.u32 s28, $0x1;
	[dreg:$0x2] =	wrdreg s3  }
0xa9: {  	[dreg:$0x3] =	wrdreg s5  }
0xaa: {  	[dreg:$0x4] =	wrdreg $0xC0  }
0xab: {  	_ =	task [dreg:s7], $0x5FFFF  }
0xac: {  	[dreg:$0x1] =	wrdreg $0xFFFFFFFF  }
0xad: {  	[dreg:$0x0] =	wrdreg $0x60  }
0xae: {  	[dreg:$0x2] =	wrdreg s24  }
0xaf: {  	[dreg:$0x3] =	wrdreg s2  }
0xb0: {  	[dreg:$0x4] =	wrdreg $0x0  }
0xb1: {  	[dreg:$0x5] =	wrdreg $0x9  }
0xb2: {  	_ =	task.clear_ibuf [dreg:s7], $0x6FFFF;
	_ =	strace $0x90000049  }
0xb3: {  	s29 =	simm.s32 $0x9;
	_ =	strace $0x8000004B  }
0xb4: {  	_ =	swait.ge [sflag:s29], $0x1  }
0xb5: {  	[sflag:s29] =	ssyncadd.s32 $0xFFFFFFFF  }
0xb6: {  	_ =	strace $0x9000004B  }
0xb7: {  	_ =	sfence  }
0xb8: {  	s30 =	sld [smem:$0x0];
	_ =	sdelay $0x2  }
0xb9: {  	s31 =	sshll.u32 s1, $0xD;
	s1 =	sshrl.u32 s1, $0x2  }
0xba: {  	s3 =	sand.u32 $0x4000, s31;
	s1 =	sadd.s32 s1, s30  }
0xbb: {  	s0 =	sor.u32 s3, s0;
	s1 =	sshll.u32 s1, $0x11  }
0xbc: {  	s0 =	sor.u32 s1, s0  }
0xbd: {  	s0 =	sadd.s32 $0x8F2B, s0  }
0xbe: {  	[sflag:s0] =	ssyncadd.remote.s32 $0x1  }
0xbf: {  	_ =	sfence.sel $0xFFFF  }
0xc0: {  	[dreg:$0x0] =	wrdreg $0xFFFFFFFF;
	(pc) =	sbr.abs _section_cstart, $3  }
0xc1: {  	[dreg:$0x1] =	wrdreg $0xFFFFFFFF  }
0xc2: {  	_ =	task.clear_ibuf [dreg:s7], $0x2FFFF;
	_ =	strace $0x9FFFFFFF  }
0xc3: {  	(tm) =	ssettm $0x7FFFFFFF  }
tec
execute0_lowered:
.L_overlay_start_1:
0x0: {  	(tag) =	ssettag $0x1  }
0x1: {  	s6 =	rddreg [dreg:$0x0]  }
0x2: {  	s1 =	rddreg [dreg:$0x1]  }
0x3: {  	s3 =	rddreg [dreg:$0x2]  }
0x4: {  	s0 =	rddreg [dreg:$0x3];
	s4 =	simm.s32 $0x0;
	s5 =	srdreg.scid  }
0x5: {  	s2 =	stileid.u32;
	s14 =	simm.s32 $0x18000;
	s15 =	simm.s32 $0x50  }
0x6: {  	s16 =	simm.s32 $0x1C000;
	s17 =	simm.s32 $0x1;
	s18 =	simm.s32 $0x0  }
0x7: {  	[smem:$0x7FF] =	sst s4;
	s7 =	sand.u32 $0x1, s5;
	s8 =	smul.u32 $0x2800, s2  }
0x8: {  	s5 =	sadd.s32 $0x93000, s6;
	s10 =	sshll.u32 s2, $0xC;
	s26 =	smul.u32 $0x50000, s2  }
0x9: {  	s31 =	sshll.u32 s2, $0x6;
	s9 =	smul.u32 $0x28000, s7;
	s11 =	sshll.u32 s7, $0xB  }
0xa: {  	_ =	strace $0x8000004A;
	s29 =	ssub.s32 $0x2, s7;
	s10 =	sor.u32 s11, s10  }
0xb: {  	s7 =	sshrl.u32 s29, $0x1;
	s30 =	sshrl.u32 s26, $0x2;
	s8 =	sadd.s32 s8, s9  }
0xc: {  	s10 =	sadd.s32 s10, s6;
	s12 =	ssub.s32 s29, s7;
	s13 =	sadd.s32 s30, s3  }
0xd: {  	s28 =	sadd.s32 s8, s6;
	s6 =	sor.u32 $0x1C02, s31;
	s7 =	sadd.s32 $0x73000, s10  }
0xe: {  	s8 =	sadd.s32 $0x83000, s10;
	s10 =	smax.u32 s12, $0x1;
	s11 =	sshrl.u32 s13, $0x3  }
0xf: {  	s12 =	simm.s32 $0x2;
	s13 =	simm.s32 $0x14000;
	s9 =	sadd.s32 $0xBA200, s28  }
.LBB2_1:
0x10: {  	[spmem:s11], [sflag:s6] =	dma.local [hbm:s1], $0x2800  }
0x11: {  	_ =	swait.ge [sflag:s12], $0x2800  }
0x12: {  	[sflag:s12] =	ssyncset.done $0x0  }
0x13: {  	[sflag:s12] =	ssyncadd.s32 $0xFFFFD800  }
0x14: {  	[tilespmem:s13], [sflag:$0x2] =	stream.linear.gather [hbm4b:s7+s4], $0x3E80, $0x38;
	[tilespmem:$0x1E800] =	vst v63  }
0x15: {  	_ =	swait.ge [sflag:s12], $0x3E80  }
0x16: {  	[sflag:s12] =	ssyncset.done $0x0  }
0x17: {  	[sflag:s12] =	ssyncadd.s32 $0xFFFFC180  }
0x18: {  	[tilespmem:s14], [sflag:$0x2] =	stream.linear.gather [hbm4b:s8+s4], $0x3E80, $0x38;
	[tilespmem:$0x1E800] =	vst v63  }
0x19: {  	_ =	swait.ge [sflag:s12], $0x3E80  }
0x1a: {  	[sflag:s12] =	ssyncset.done $0x0  }
0x1b: {  	[sflag:s12] =	ssyncadd.s32 $0xFFFFC180  }
0x1c: {  	s19 =	simm.s32 $0x14000;
	[bflag:$0x0] =	sbarrier.arrive $0xFFFF  }
0x1d: {  	[tilespmem:s16], [sflag:$0x1] =	stream.indirect.gather [hbm4b:s5+s15], $0x80, s19, s15, $0xb8;
	[tilespmem:$0x1E800] =	vst v63  }
0x1e: {  	_ =	swait.ge [sflag:s17], $0x2800  }
0x1f: {  	[sflag:s17] =	ssyncset.done $0x0  }
0x20: {  	s31 =	simm.s32 $0x18000;
	[sflag:s17] =	ssyncadd.s32 $0xFFFFD800  }
0x21: {  	[spmem:s3] =	stream.indirect.scatter.add.f32 [tilespmem:s16], [sflag:$0x2], $0x80, s31, s15, $0xb8;
	[tilespmem:$0x1E800] =	vst v63  }
0x22: {  	_ =	swait.ge [sflag:s12], $0x2800  }
0x23: {  	s20 =	simm.s32 $0x400;
	s19 =	simm.s32 $0x80;
	[sflag:s12] =	ssyncset.done $0x0  }
.LBB2_2:
0x24: {  	s21 =	sadd.s32 $0x14000, s19  }
0x25: {  	[sflag:s12] =	ssyncadd.s32 $0xFFFFD800;
	s22 =	smov.u32 s20;
	s23 =	sadd.s32 $0x200, s20  }
0x26: {  	[tilespmem:s16], [sflag:$0x1] =	stream.indirect.gather [hbm4b:s5+s15], $0x80, s21, s15, $0xb8;
	[tilespmem:$0x1E800] =	vst v63  }
0x27: {  	p0 =	sne.s32 s20, $0xF800;
	_ =	swait.ge [sflag:s17], $0x2800  }
.Ltmp0:
0x28: {  	[sflag:s17] =	ssyncset.done $0x0;
	(pc) =	sbr.rel @p0 .LBB2_2-.Ltmp0, $4  }
0x29: {  	s19 =	sadd.s32 $0x18000, s19;
	[sflag:s17] =	ssyncadd.s32 $0xFFFFD800  }
0x2a: {  	[spmem:s3] =	stream.indirect.scatter.add.f32 [tilespmem:s16], [sflag:$0x2], $0x80, s19, s15, $0xb8;
	[tilespmem:$0x1E800] =	vst v63  }
0x2b: {  	_ =	swait.ge [sflag:s12], $0x2800  }
0x2c: {  	s20 =	smov.u32 s23;
	s19 =	sshra.s32 s22, $0x2;
	[sflag:s12] =	ssyncset.done $0x0  }
0x2d: {  	s20 =	sadd.s32 $0x14000, s19;
	[sflag:s12] =	ssyncadd.s32 $0xFFFFD800  }
0x2e: {  	[tilespmem:s16], [sflag:$0x1] =	stream.indirect.gather [hbm4b:s5+s15], $0x80, s20, s15, $0xb8;
	[tilespmem:$0x1E800] =	vst v63  }
0x2f: {  	_ =	swait.ge [sflag:s17], $0x2800  }
0x30: {  	[sflag:s17] =	ssyncset.done $0x0  }
0x31: {  	s31 =	sadd.s32 $0x18000, s19;
	[sflag:s17] =	ssyncadd.s32 $0xFFFFD800  }
0x32: {  	[spmem:s3] =	stream.indirect.scatter.add.f32 [tilespmem:s16], [sflag:$0x2], $0x80, s31, s15, $0xb8;
	[tilespmem:$0x1E800] =	vst v63  }
0x33: {  	_ =	swait.ge [sflag:s12], $0x2800  }
0x34: {  	s18 =	sadd.s32 $0x1, s18;
	[sflag:s12] =	ssyncset.done $0x0  }
0x35: {  	p0 =	sne.s32 s18, s10;
	[sflag:s12] =	ssyncadd.s32 $0xFFFFD800  }
.Ltmp1:
0x36: {  	[bflag:$0x0] =	sbarrier.arrive $0xFFFF;
	(pc) =	sbr.rel @p0 .LBB2_1-.Ltmp1, $4  }
0x37: {  	[hbm:s9], [sflag:s6] =	dma.local [spmem:s11], $0x2800  }
0x38: {  	_ =	swait.ge [sflag:s12], $0x2800  }
0x39: {  	[sflag:s12] =	ssyncset.done $0x0  }
0x3a: {  	[sflag:s12] =	ssyncadd.s32 $0xFFFFD800  }
0x3b: {  	_ =	sfence.sel $0x180000  }
0x3c: {  	[bflag:$0x0] =	sbarrier.arrive $0xFFFF  }
0x3d: {  	p0 =	sne.s32 s2, $0x0;
	_ =	strace $0x9000004A  }
0x3e: {  	s0 =	sadd.s32 @!p0 $0x100000, s0;
	[bflag:$0x2] =	sbarrier.arrive $0xFFFF  }
0x3f: {  	[sflag:s0] =	ssyncadd.tile.s32 @!p0 $0x1;
	_ =	shalt  }
.Lfunc_end2:
_tile_overlayer_lowered:
.L_overlay_start_2:
0x40: {  	(tag) =	ssettag $0x2  }
0x41: {  	s0 =	rddreg [dreg:$0x0];
	s2 =	stileid.u32  }
0x42: {  	s1 =	rddreg [dreg:$0x1];
	p0 =	sne.s32 s2, $0x0  }
0x43: {  	s3 =	rddreg [dreg:$0x2];
	[bflag:$0x3] =	sbarrier.arrive $0xFFFF;
	s2 =	simm.s32 @!p0 $0x1C02  }
0x44: {  	[timem:s3], [sflag:s2] =	dma.local @!p0 [hbm:s0], s1  }
0x45: {  	s0 =	simm.s32 @!p0 $0x2  }
0x46: {  	_ =	swait.ge @!p0 [sflag:s0], s1  }
0x47: {  	s1 =	ssub.s32 @!p0 $0x0, s1;
	[sflag:s0] =	ssyncset.done @!p0 $0x0  }
0x48: {  	[sflag:s0] =	ssyncadd.s32 @!p0 s1  }
0x49: {  	[bflag:$0x3] =	sbarrier.arrive $0xFFFF  }
0x4a: {  	_ =	shalt  }

// kernel: kernel.16.cloned.1.call-start
scs
__scs_entry_jumppad:
0x0: {  	(pc) =	sbr.rel $0x88, $3  }
0x1: {  	(tag) =	ssettag $0x0;
	lr =	simm.s32 $0x1  }
0x2: {  	[smem:$0x3F95] =	sst lr;
	_ =	strace $0xD0000000  }
0x3: {  	_ = 	snop  }
0x4: {  	_ = 	snop  }
0x5: {  	_ = 	snop  }
0x6: {  	_ = 	snop  }
0x7: {  	_ = 	snop  }
__scs_overlays_trampoline_lowered:
0x8: {  	[smem:$0x3FA4] =	sst s0  }
0x9: {  	[smem:$0x3FA5] =	sst s1  }
0xa: {  	[smem:$0x3FA6] =	sst s2  }
0xb: {  	[smem:$0x3FA7] =	sst s3  }
0xc: {  	[smem:$0x3FA8] =	sst s4  }
0xd: {  	[smem:$0x3FA9] =	sst s5  }
0xe: {  	[smem:$0x3FAA] =	sst s6  }
0xf: {  	[smem:$0x3FAB] =	sst s7  }
0x10: {  	[smem:$0x3FAC] =	sst s8  }
0x11: {  	[smem:$0x3FAD] =	sst s9;
	s0 =	simm.s32 @!p0 $0x0  }
0x12: {  	s1 =	sld [smem:$0x3F93];
	s0 =	simm.s32 @p0 $0x1  }
0x13: {  	[smem:$0x3FAE] =	sst s0;
	s0 =	simm.s32 @!p1 $0x0  }
0x14: {  	s2 =	sld [smem:$0x3F92];
	s0 =	simm.s32 @p1 $0x1  }
0x15: {  	[smem:$0x3FAF] =	sst s0;
	s0 =	simm.s32 @!p2 $0x0  }
0x16: {  	s3 =	sld [smem:$0x3FDB];
	s0 =	simm.s32 @p2 $0x1  }
0x17: {  	s4 =	simm.s32 $0x1BF5;
	[smem:$0x3FB1] =	sst s0  }
0x18: {  	s0 =	sld [smem:$0x3F94];
	_ =	swait.ge [sflag:s4], $0x0  }
0x19: {  	s7 =	sld [smem:$0x3F95]  }
0x1a: {  	s8 =	sadd.s32 $0xFFFFE003, lr  }
0x1b: {  	s9 =	sadd.s32 $0xFFFFFEF7, lr;
	s5 =	simm.s32 $0xFFFFFFFF;
	p2 =	slt.u32 s8, $0xFFFFF086  }
0x1c: {  	p1 =	slt.u32 s9, $0xF7A;
	s5 =	simm.s32 @!p2 $0x0  }
0x1d: {  	s5 =	simm.s32 @p1 $0x1;
	p0 =	seq.s32 s7, s2  }
0x1e: {  	s7 =	smul.u32 @!p0 $0xF7A, s2;
	p2 =	seq.s32 @!p0 s5, $0x0  }
0x1f: {  	s9 =	smul.u32 $0xF7A, s1;
	s8 =	simm.s32 @!p0 $0x1BF5;
	p2 =	por !p2, p0  }
0x20: {  	[sflag:s8] =	ssyncset.s32 @!p0 $0xFFFFF086;
	s6 =	sadd.s32 @!p0 s3, s7;
	s7 =	simm.s32 @!p0 $0x108  }
0x21: {  	s3 =	sadd.s32 s3, s9;
	s6 =	sadd.s32 @!p0 $0x88, s6;
	s7 =	simm.s32 @p2 $0x1082  }
0x22: {  	[simem:s7], [sflag:s8] =	dma.local @!p0 [hbm:s6], $0xF7A  }
0x23: {  	s9 =	sor.u32 $0xD0000000, s2;
	s6 =	simm.s32 $0x108;
	_ =	swait.ge @!p0 [sflag:s8], $0x0  }
0x24: {  	s3 =	sadd.s32 $0x88, s3;
	s6 =	simm.s32 @!p1 $0x1082;
	[sflag:s4] =	ssyncset.s32 $0xFFFFF086  }
0x25: {  	[simem:s6], [sflag:s4] =	dma.local [hbm:s3], $0xF7A  }
0x26: {  	[smem:$0x3F95] =	sst s1;
	(tag) =	ssettag s2;
	_ =	strace s9  }
0x27: {  	s1 =	sld [smem:$0x3FA5]  }
0x28: {  	s2 =	sld [smem:$0x3FA6]  }
0x29: {  	s4 =	sld [smem:$0x3FA8]  }
0x2a: {  	p0 =	seq.s32 s5, $0x0;
	s5 =	sld [smem:$0x3FA9]  }
0x2b: {  	s6 =	sld [smem:$0x3FAA]  }
0x2c: {  	s7 =	sld [smem:$0x3FAB]  }
0x2d: {  	s3 =	simm.s32 $0x108;
	s8 =	sld [smem:$0x3FAC]  }
0x2e: {  	s3 =	simm.s32 @!p0 $0x1082;
	s9 =	sld [smem:$0x3FAD]  }
0x2f: {  	lr =	sadd.s32 s0, s3;
	s0 =	sld [smem:$0x3FA4]  }
0x30: {  	s3 =	sld [smem:$0x3FA7]  }
0x31: {  	[smem:$0x3FB0] =	sst s10  }
0x32: {  	s10 =	sld [smem:$0x3FAE];
	_ =	sdelay $0x3  }
0x33: {  	p0 =	seq.s32 s10, $0x1;
	s10 =	sld [smem:$0x3FB0];
	_ =	sdelay $0x3  }
0x34: {  	[smem:$0x3FB0] =	sst s10  }
0x35: {  	s10 =	sld [smem:$0x3FAF];
	_ =	sdelay $0x3  }
0x36: {  	p1 =	seq.s32 s10, $0x1;
	s10 =	sld [smem:$0x3FB0];
	_ =	sdelay $0x3  }
0x37: {  	[smem:$0x3FB0] =	sst s10  }
0x38: {  	s10 =	sld [smem:$0x3FB1]  }
0x39: {  	_ = 	snop;
	(pc) =	sbr.ind lr, $3  }
0x3a: {  	_ = 	snop  }
0x3b: {  	_ = 	snop  }
0x3c: {  	p2 =	seq.s32 s10, $0x1;
	s10 =	sld [smem:$0x3FB0]  }
0x3d: {  	_ =	shalt  }
0x3e: {  	_ =	shalt  }
0x3f: {  	_ =	shalt  }
0x40: {  	_ =	shalt  }
0x41: {  	_ =	shalt  }
0x42: {  	_ =	shalt  }
0x43: {  	_ =	shalt  }
0x44: {  	_ =	shalt  }
0x45: {  	_ =	shalt  }
0x46: {  	_ =	shalt  }
0x47: {  	_ =	shalt  }
0x48: {  	_ =	shalt  }
0x49: {  	_ =	shalt  }
0x4a: {  	_ =	shalt  }
0x4b: {  	_ =	shalt  }
0x4c: {  	_ =	shalt  }
0x4d: {  	_ =	shalt  }
0x4e: {  	_ =	shalt  }
0x4f: {  	_ =	shalt  }
0x50: {  	_ =	shalt  }
0x51: {  	_ =	shalt  }
0x52: {  	_ =	shalt  }
0x53: {  	_ =	shalt  }
0x54: {  	_ =	shalt  }
0x55: {  	_ =	shalt  }
0x56: {  	_ =	shalt  }
0x57: {  	_ =	shalt  }
0x58: {  	_ =	shalt  }
0x59: {  	_ =	shalt  }
0x5a: {  	_ =	shalt  }
0x5b: {  	_ =	shalt  }
0x5c: {  	_ =	shalt  }
0x5d: {  	_ =	shalt  }
0x5e: {  	_ =	shalt  }
0x5f: {  	_ =	shalt  }
0x60: {  	_ =	shalt  }
0x61: {  	_ =	shalt  }
0x62: {  	_ =	shalt  }
0x63: {  	_ =	shalt  }
0x64: {  	_ =	shalt  }
0x65: {  	_ =	shalt  }
0x66: {  	_ =	shalt  }
0x67: {  	_ =	shalt  }
0x68: {  	_ =	shalt  }
0x69: {  	_ =	shalt  }
0x6a: {  	_ =	shalt  }
0x6b: {  	_ =	shalt  }
0x6c: {  	_ =	shalt  }
0x6d: {  	_ =	shalt  }
0x6e: {  	_ =	shalt  }
0x6f: {  	_ =	shalt  }
0x70: {  	_ =	shalt  }
0x71: {  	_ =	shalt  }
0x72: {  	_ =	shalt  }
0x73: {  	_ =	shalt  }
0x74: {  	_ =	shalt  }
0x75: {  	_ =	shalt  }
0x76: {  	_ =	shalt  }
0x77: {  	_ =	shalt  }
0x78: {  	_ =	shalt  }
0x79: {  	_ =	shalt  }
0x7a: {  	_ =	shalt  }
0x7b: {  	_ =	shalt  }
0x7c: {  	_ =	shalt  }
0x7d: {  	_ =	shalt  }
0x7e: {  	_ =	shalt  }
0x7f: {  	_ =	shalt  }
0x80: {  	_ =	shalt  }
0x81: {  	_ =	shalt  }
0x82: {  	_ =	shalt  }
0x83: {  	_ =	shalt  }
0x84: {  	_ =	shalt  }
0x85: {  	_ =	shalt  }
0x86: {  	_ =	shalt  }
0x87: {  	_ =	shalt  }
.Lfunc_end0:
.L_simem_size_0:
called_computation.2_lowered:
.L_overlay_start_0:
0x88: {  	s2 =	sld [smem:$0x3FD9]  }
0x89: {  	s3 =	sld [smem:$0x3FFE];
	_ =	sdelay $0x1  }
0x8a: {  	s1 =	srdreg.scid  }
0x8b: {  	s0 =	sand.u32 $0x1, s1  }
0x8c: {  	s17 =	sshll.u32 s0, $0xA;
	s2 =	sadd.s32 s3, s2  }
0x8d: {  	s2 =	sadd.s32 s2, s17  }
0x8e: {  	[smem:$0x3FBC] =	sst s2  }
0x8f: {  	_ = 	snop  }
0x90: {  	s2 =	sld [smem:$0x3FD0];
	(tm) =	ssettm $0x1  }
0x91: {  	s18 =	sld [smem:$0x3FFB];
	_ =	sdelay $0x3  }
0x92: {  	_ =	strace s18  }
0x93: {  	s3 =	sld [smem:$0x3FFC];
	_ =	sdelay $0x3  }
0x94: {  	_ =	strace s3  }
0x95: {  	s3 =	sld [smem:$0x3FFD];
	_ =	sdelay $0x3  }
0x96: {  	_ =	strace s3  }
0x97: {  	_ =	strace $0x8FFFFFFF  }
0x98: {  	s19 =	sld [smem:$0x3FDB];
	_ =	sdelay $0x1  }
0x99: {  	s4 =	simm.s32 $_scs_section_size  }
0x9a: {  	s5 =	simm.s32 $_size__tile_overlayer_lowered;
	s6 =	simm.s32 $_tile_overlayer_lowered  }
0x9b: {  	s22 =	simm.s32 $0x1BFF;
	s21 =	sshll.u32 s6, $0x1;
	s3 =	sadd.s32 s4, s19  }
0x9c: {  	s7 =	simm.s32 $0x0;
	s20 =	sshll.u32 s5, $0x1;
	s5 =	sadd.s32 s21, s3  }
0x9d: {  	[timem:s7], [sflag:s22] =	dma.local [hbm:s5], s20  }
0x9e: {  	_ =	swait.ge [sflag:s22], s20  }
0x9f: {  	s4 =	ssub.s32 $0x0, s20;
	[sflag:s22] =	ssyncset.done $0x0  }
0xa0: {  	[sflag:s22] =	ssyncadd.s32 s4;
	_ =	sdelay $0x1  }
0xa1: {  	s23 =	simm.s32 $0x1B8B  }
0xa2: {  	_ =	swait.ge [sflag:s23], $0x1  }
0xa3: {  	[sflag:s23] =	ssyncset.done $0x0  }
0xa4: {  	s25 =	simm.s32 $0x1B8E;
	s24 =	sld [smem:$0x3FFE];
	[sflag:s23] =	ssyncadd.s32 $0xFFFFFFFF  }
0xa5: {  	s26 =	simm.s32 $execute0_lowered;
	[smem:$0x3FD2] =	sst s25  }
0xa6: {  	s5 =	sshll.u32 s26, $0x1;
	_ =	strace $0x8000004C;
	[dreg:$0x1] =	wrdreg $0xFFFFFFFF  }
0xa7: {  	s28 =	simm.s32 $_size_execute0_lowered;
	s3 =	sadd.s32 s3, s5;
	[dreg:$0x0] =	wrdreg $0x0  }
0xa8: {  	s5 =	sshll.u32 s28, $0x1;
	[dreg:$0x2] =	wrdreg s3  }
0xa9: {  	[dreg:$0x3] =	wrdreg s5  }
0xaa: {  	[dreg:$0x4] =	wrdreg $0xC0  }
0xab: {  	_ =	task [dreg:s7], $0x5FFFF  }
0xac: {  	[dreg:$0x1] =	wrdreg $0xFFFFFFFF  }
0xad: {  	[dreg:$0x0] =	wrdreg $0x60  }
0xae: {  	[dreg:$0x2] =	wrdreg s24  }
0xaf: {  	[dreg:$0x3] =	wrdreg s2  }
0xb0: {  	[dreg:$0x4] =	wrdreg $0x0  }
0xb1: {  	[dreg:$0x5] =	wrdreg $0x9  }
0xb2: {  	_ =	task.clear_ibuf [dreg:s7], $0x6FFFF;
	_ =	strace $0x9000004C  }
0xb3: {  	s29 =	simm.s32 $0x9;
	_ =	strace $0x8000004E  }
0xb4: {  	_ =	swait.ge [sflag:s29], $0x1  }
0xb5: {  	[sflag:s29] =	ssyncadd.s32 $0xFFFFFFFF  }
0xb6: {  	_ =	strace $0x9000004E  }
0xb7: {  	_ =	sfence  }
0xb8: {  	s30 =	sld [smem:$0x0];
	_ =	sdelay $0x2  }
0xb9: {  	s31 =	sshll.u32 s1, $0xD;
	s1 =	sshrl.u32 s1, $0x2  }
0xba: {  	s3 =	sand.u32 $0x4000, s31;
	s1 =	sadd.s32 s1, s30  }
0xbb: {  	s0 =	sor.u32 s3, s0;
	s1 =	sshll.u32 s1, $0x11  }
0xbc: {  	s0 =	sor.u32 s1, s0  }
0xbd: {  	s0 =	sadd.s32 $0x8F2B, s0  }
0xbe: {  	[sflag:s0] =	ssyncadd.remote.s32 $0x1  }
0xbf: {  	_ =	sfence.sel $0xFFFF  }
0xc0: {  	[dreg:$0x0] =	wrdreg $0xFFFFFFFF;
	(pc) =	sbr.abs _section_cstart, $3  }
0xc1: {  	[dreg:$0x1] =	wrdreg $0xFFFFFFFF  }
0xc2: {  	_ =	task.clear_ibuf [dreg:s7], $0x2FFFF;
	_ =	strace $0x9FFFFFFF  }
0xc3: {  	(tm) =	ssettm $0x7FFFFFFF  }
tec
execute0_lowered:
.L_overlay_start_1:
0x0: {  	(tag) =	ssettag $0x1  }
0x1: {  	s6 =	rddreg [dreg:$0x0]  }
0x2: {  	s1 =	rddreg [dreg:$0x1]  }
0x3: {  	s3 =	rddreg [dreg:$0x2]  }
0x4: {  	s0 =	rddreg [dreg:$0x3];
	s4 =	simm.s32 $0x0;
	s5 =	srdreg.scid  }
0x5: {  	s2 =	stileid.u32;
	s14 =	simm.s32 $0x18000;
	s15 =	simm.s32 $0x50  }
0x6: {  	s16 =	simm.s32 $0x1C000;
	s17 =	simm.s32 $0x1;
	s18 =	simm.s32 $0x0  }
0x7: {  	[smem:$0x7FF] =	sst s4;
	s7 =	sand.u32 $0x1, s5;
	s8 =	smul.u32 $0x2800, s2  }
0x8: {  	s5 =	sadd.s32 $0x93000, s6;
	s10 =	sshll.u32 s2, $0xC;
	s26 =	smul.u32 $0x50000, s2  }
0x9: {  	s31 =	sshll.u32 s2, $0x6;
	s9 =	smul.u32 $0x28000, s7;
	s11 =	sshll.u32 s7, $0xB  }
0xa: {  	_ =	strace $0x8000004D;
	s29 =	ssub.s32 $0x2, s7;
	s10 =	sor.u32 s11, s10  }
0xb: {  	s7 =	sshrl.u32 s29, $0x1;
	s30 =	sshrl.u32 s26, $0x2;
	s8 =	sadd.s32 s8, s9  }
0xc: {  	s10 =	sadd.s32 s10, s6;
	s12 =	ssub.s32 s29, s7;
	s13 =	sadd.s32 s30, s3  }
0xd: {  	s28 =	sadd.s32 s8, s6;
	s6 =	sor.u32 $0x1C02, s31;
	s7 =	sadd.s32 $0x73000, s10  }
0xe: {  	s8 =	sadd.s32 $0x83000, s10;
	s10 =	smax.u32 s12, $0x1;
	s11 =	sshrl.u32 s13, $0x3  }
0xf: {  	s12 =	simm.s32 $0x2;
	s13 =	simm.s32 $0x14000;
	s9 =	sadd.s32 $0xBA200, s28  }
.LBB2_1:
0x10: {  	[spmem:s11], [sflag:s6] =	dma.local [hbm:s1], $0x2800  }
0x11: {  	_ =	swait.ge [sflag:s12], $0x2800  }
0x12: {  	[sflag:s12] =	ssyncset.done $0x0  }
0x13: {  	[sflag:s12] =	ssyncadd.s32 $0xFFFFD800  }
0x14: {  	[tilespmem:s13], [sflag:$0x2] =	stream.linear.gather [hbm4b:s7+s4], $0x3E80, $0x38;
	[tilespmem:$0x1E800] =	vst v63  }
0x15: {  	_ =	swait.ge [sflag:s12], $0x3E80  }
0x16: {  	[sflag:s12] =	ssyncset.done $0x0  }
0x17: {  	[sflag:s12] =	ssyncadd.s32 $0xFFFFC180  }
0x18: {  	[tilespmem:s14], [sflag:$0x2] =	stream.linear.gather [hbm4b:s8+s4], $0x3E80, $0x38;
	[tilespmem:$0x1E800] =	vst v63  }
0x19: {  	_ =	swait.ge [sflag:s12], $0x3E80  }
0x1a: {  	[sflag:s12] =	ssyncset.done $0x0  }
0x1b: {  	[sflag:s12] =	ssyncadd.s32 $0xFFFFC180  }
0x1c: {  	s19 =	simm.s32 $0x14000;
	[bflag:$0x0] =	sbarrier.arrive $0xFFFF  }
0x1d: {  	[tilespmem:s16], [sflag:$0x1] =	stream.indirect.gather [hbm4b:s5+s15], $0x80, s19, s15, $0xb8;
	[tilespmem:$0x1E800] =	vst v63  }
0x1e: {  	_ =	swait.ge [sflag:s17], $0x2800  }
0x1f: {  	[sflag:s17] =	ssyncset.done $0x0  }
0x20: {  	s31 =	simm.s32 $0x18000;
	[sflag:s17] =	ssyncadd.s32 $0xFFFFD800  }
0x21: {  	[spmem:s3] =	stream.indirect.scatter.add.f32 [tilespmem:s16], [sflag:$0x2], $0x80, s31, s15, $0xb8;
	[tilespmem:$0x1E800] =	vst v63  }
0x22: {  	_ =	swait.ge [sflag:s12], $0x2800  }
0x23: {  	s20 =	simm.s32 $0x400;
	s19 =	simm.s32 $0x80;
	[sflag:s12] =	ssyncset.done $0x0  }
.LBB2_2:
0x24: {  	s21 =	sadd.s32 $0x14000, s19  }
0x25: {  	[sflag:s12] =	ssyncadd.s32 $0xFFFFD800;
	s22 =	smov.u32 s20;
	s23 =	sadd.s32 $0x200, s20  }
0x26: {  	[tilespmem:s16], [sflag:$0x1] =	stream.indirect.gather [hbm4b:s5+s15], $0x80, s21, s15, $0xb8;
	[tilespmem:$0x1E800] =	vst v63  }
0x27: {  	p0 =	sne.s32 s20, $0xF800;
	_ =	swait.ge [sflag:s17], $0x2800  }
.Ltmp0:
0x28: {  	[sflag:s17] =	ssyncset.done $0x0;
	(pc) =	sbr.rel @p0 .LBB2_2-.Ltmp0, $4  }
0x29: {  	s19 =	sadd.s32 $0x18000, s19;
	[sflag:s17] =	ssyncadd.s32 $0xFFFFD800  }
0x2a: {  	[spmem:s3] =	stream.indirect.scatter.add.f32 [tilespmem:s16], [sflag:$0x2], $0x80, s19, s15, $0xb8;
	[tilespmem:$0x1E800] =	vst v63  }
0x2b: {  	_ =	swait.ge [sflag:s12], $0x2800  }
0x2c: {  	s20 =	smov.u32 s23;
	s19 =	sshra.s32 s22, $0x2;
	[sflag:s12] =	ssyncset.done $0x0  }
0x2d: {  	s20 =	sadd.s32 $0x14000, s19;
	[sflag:s12] =	ssyncadd.s32 $0xFFFFD800  }
0x2e: {  	[tilespmem:s16], [sflag:$0x1] =	stream.indirect.gather [hbm4b:s5+s15], $0x80, s20, s15, $0xb8;
	[tilespmem:$0x1E800] =	vst v63  }
0x2f: {  	_ =	swait.ge [sflag:s17], $0x2800  }
0x30: {  	[sflag:s17] =	ssyncset.done $0x0  }
0x31: {  	s31 =	sadd.s32 $0x18000, s19;
	[sflag:s17] =	ssyncadd.s32 $0xFFFFD800  }
0x32: {  	[spmem:s3] =	stream.indirect.scatter.add.f32 [tilespmem:s16], [sflag:$0x2], $0x80, s31, s15, $0xb8;
	[tilespmem:$0x1E800] =	vst v63  }
0x33: {  	_ =	swait.ge [sflag:s12], $0x2800  }
0x34: {  	s18 =	sadd.s32 $0x1, s18;
	[sflag:s12] =	ssyncset.done $0x0  }
0x35: {  	p0 =	sne.s32 s18, s10;
	[sflag:s12] =	ssyncadd.s32 $0xFFFFD800  }
.Ltmp1:
0x36: {  	[bflag:$0x0] =	sbarrier.arrive $0xFFFF;
	(pc) =	sbr.rel @p0 .LBB2_1-.Ltmp1, $4  }
0x37: {  	[hbm:s9], [sflag:s6] =	dma.local [spmem:s11], $0x2800  }
0x38: {  	_ =	swait.ge [sflag:s12], $0x2800  }
0x39: {  	[sflag:s12] =	ssyncset.done $0x0  }
0x3a: {  	[sflag:s12] =	ssyncadd.s32 $0xFFFFD800  }
0x3b: {  	_ =	sfence.sel $0x180000  }
0x3c: {  	[bflag:$0x0] =	sbarrier.arrive $0xFFFF  }
0x3d: {  	p0 =	sne.s32 s2, $0x0;
	_ =	strace $0x9000004D  }
0x3e: {  	s0 =	sadd.s32 @!p0 $0x100000, s0;
	[bflag:$0x2] =	sbarrier.arrive $0xFFFF  }
0x3f: {  	[sflag:s0] =	ssyncadd.tile.s32 @!p0 $0x1;
	_ =	shalt  }
.Lfunc_end2:
_tile_overlayer_lowered:
.L_overlay_start_2:
0x40: {  	(tag) =	ssettag $0x2  }
0x41: {  	s0 =	rddreg [dreg:$0x0];
	s2 =	stileid.u32  }
0x42: {  	s1 =	rddreg [dreg:$0x1];
	p0 =	sne.s32 s2, $0x0  }
0x43: {  	s3 =	rddreg [dreg:$0x2];
	[bflag:$0x3] =	sbarrier.arrive $0xFFFF;
	s2 =	simm.s32 @!p0 $0x1C02  }
0x44: {  	[timem:s3], [sflag:s2] =	dma.local @!p0 [hbm:s0], s1  }
0x45: {  	s0 =	simm.s32 @!p0 $0x2  }
0x46: {  	_ =	swait.ge @!p0 [sflag:s0], s1  }
0x47: {  	s1 =	ssub.s32 @!p0 $0x0, s1;
	[sflag:s0] =	ssyncset.done @!p0 $0x0  }
0x48: {  	[sflag:s0] =	ssyncadd.s32 @!p0 s1  }
0x49: {  	[bflag:$0x3] =	sbarrier.arrive $0xFFFF  }
0x4a: {  	_ =	shalt  }

// kernel: kernel.19.cloned.1.call-start
scs
__scs_entry_jumppad:
0x0: {  	(pc) =	sbr.rel $0x88, $3  }
0x1: {  	(tag) =	ssettag $0x0;
	lr =	simm.s32 $0x1  }
0x2: {  	[smem:$0x3F95] =	sst lr;
	_ =	strace $0xD0000000  }
0x3: {  	_ = 	snop  }
0x4: {  	_ = 	snop  }
0x5: {  	_ = 	snop  }
0x6: {  	_ = 	snop  }
0x7: {  	_ = 	snop  }
__scs_overlays_trampoline_lowered:
0x8: {  	[smem:$0x3FA4] =	sst s0  }
0x9: {  	[smem:$0x3FA5] =	sst s1  }
0xa: {  	[smem:$0x3FA6] =	sst s2  }
0xb: {  	[smem:$0x3FA7] =	sst s3  }
0xc: {  	[smem:$0x3FA8] =	sst s4  }
0xd: {  	[smem:$0x3FA9] =	sst s5  }
0xe: {  	[smem:$0x3FAA] =	sst s6  }
0xf: {  	[smem:$0x3FAB] =	sst s7  }
0x10: {  	[smem:$0x3FAC] =	sst s8  }
0x11: {  	[smem:$0x3FAD] =	sst s9;
	s0 =	simm.s32 @!p0 $0x0  }
0x12: {  	s1 =	sld [smem:$0x3F93];
	s0 =	simm.s32 @p0 $0x1  }
0x13: {  	[smem:$0x3FAE] =	sst s0;
	s0 =	simm.s32 @!p1 $0x0  }
0x14: {  	s2 =	sld [smem:$0x3F92];
	s0 =	simm.s32 @p1 $0x1  }
0x15: {  	[smem:$0x3FAF] =	sst s0;
	s0 =	simm.s32 @!p2 $0x0  }
0x16: {  	s3 =	sld [smem:$0x3FDB];
	s0 =	simm.s32 @p2 $0x1  }
0x17: {  	s4 =	simm.s32 $0x1BF5;
	[smem:$0x3FB1] =	sst s0  }
0x18: {  	s0 =	sld [smem:$0x3F94];
	_ =	swait.ge [sflag:s4], $0x0  }
0x19: {  	s7 =	sld [smem:$0x3F95]  }
0x1a: {  	s8 =	sadd.s32 $0xFFFFE003, lr  }
0x1b: {  	s9 =	sadd.s32 $0xFFFFFEF7, lr;
	s5 =	simm.s32 $0xFFFFFFFF;
	p2 =	slt.u32 s8, $0xFFFFF086  }
0x1c: {  	p1 =	slt.u32 s9, $0xF7A;
	s5 =	simm.s32 @!p2 $0x0  }
0x1d: {  	s5 =	simm.s32 @p1 $0x1;
	p0 =	seq.s32 s7, s2  }
0x1e: {  	s7 =	smul.u32 @!p0 $0xF7A, s2;
	p2 =	seq.s32 @!p0 s5, $0x0  }
0x1f: {  	s9 =	smul.u32 $0xF7A, s1;
	s8 =	simm.s32 @!p0 $0x1BF5;
	p2 =	por !p2, p0  }
0x20: {  	[sflag:s8] =	ssyncset.s32 @!p0 $0xFFFFF086;
	s6 =	sadd.s32 @!p0 s3, s7;
	s7 =	simm.s32 @!p0 $0x108  }
0x21: {  	s3 =	sadd.s32 s3, s9;
	s6 =	sadd.s32 @!p0 $0x88, s6;
	s7 =	simm.s32 @p2 $0x1082  }
0x22: {  	[simem:s7], [sflag:s8] =	dma.local @!p0 [hbm:s6], $0xF7A  }
0x23: {  	s9 =	sor.u32 $0xD0000000, s2;
	s6 =	simm.s32 $0x108;
	_ =	swait.ge @!p0 [sflag:s8], $0x0  }
0x24: {  	s3 =	sadd.s32 $0x88, s3;
	s6 =	simm.s32 @!p1 $0x1082;
	[sflag:s4] =	ssyncset.s32 $0xFFFFF086  }
0x25: {  	[simem:s6], [sflag:s4] =	dma.local [hbm:s3], $0xF7A  }
0x26: {  	[smem:$0x3F95] =	sst s1;
	(tag) =	ssettag s2;
	_ =	strace s9  }
0x27: {  	s1 =	sld [smem:$0x3FA5]  }
0x28: {  	s2 =	sld [smem:$0x3FA6]  }
0x29: {  	s4 =	sld [smem:$0x3FA8]  }
0x2a: {  	p0 =	seq.s32 s5, $0x0;
	s5 =	sld [smem:$0x3FA9]  }
0x2b: {  	s6 =	sld [smem:$0x3FAA]  }
0x2c: {  	s7 =	sld [smem:$0x3FAB]  }
0x2d: {  	s3 =	simm.s32 $0x108;
	s8 =	sld [smem:$0x3FAC]  }
0x2e: {  	s3 =	simm.s32 @!p0 $0x1082;
	s9 =	sld [smem:$0x3FAD]  }
0x2f: {  	lr =	sadd.s32 s0, s3;
	s0 =	sld [smem:$0x3FA4]  }
0x30: {  	s3 =	sld [smem:$0x3FA7]  }
0x31: {  	[smem:$0x3FB0] =	sst s10  }
0x32: {  	s10 =	sld [smem:$0x3FAE];
	_ =	sdelay $0x3  }
0x33: {  	p0 =	seq.s32 s10, $0x1;
	s10 =	sld [smem:$0x3FB0];
	_ =	sdelay $0x3  }
0x34: {  	[smem:$0x3FB0] =	sst s10  }
0x35: {  	s10 =	sld [smem:$0x3FAF];
	_ =	sdelay $0x3  }
0x36: {  	p1 =	seq.s32 s10, $0x1;
	s10 =	sld [smem:$0x3FB0];
	_ =	sdelay $0x3  }
0x37: {  	[smem:$0x3FB0] =	sst s10  }
0x38: {  	s10 =	sld [smem:$0x3FB1]  }
0x39: {  	_ = 	snop;
	(pc) =	sbr.ind lr, $3  }
0x3a: {  	_ = 	snop  }
0x3b: {  	_ = 	snop  }
0x3c: {  	p2 =	seq.s32 s10, $0x1;
	s10 =	sld [smem:$0x3FB0]  }
0x3d: {  	_ =	shalt  }
0x3e: {  	_ =	shalt  }
0x3f: {  	_ =	shalt  }
0x40: {  	_ =	shalt  }
0x41: {  	_ =	shalt  }
0x42: {  	_ =	shalt  }
0x43: {  	_ =	shalt  }
0x44: {  	_ =	shalt  }
0x45: {  	_ =	shalt  }
0x46: {  	_ =	shalt  }
0x47: {  	_ =	shalt  }
0x48: {  	_ =	shalt  }
0x49: {  	_ =	shalt  }
0x4a: {  	_ =	shalt  }
0x4b: {  	_ =	shalt  }
0x4c: {  	_ =	shalt  }
0x4d: {  	_ =	shalt  }
0x4e: {  	_ =	shalt  }
0x4f: {  	_ =	shalt  }
0x50: {  	_ =	shalt  }
0x51: {  	_ =	shalt  }
0x52: {  	_ =	shalt  }
0x53: {  	_ =	shalt  }
0x54: {  	_ =	shalt  }
0x55: {  	_ =	shalt  }
0x56: {  	_ =	shalt  }
0x57: {  	_ =	shalt  }
0x58: {  	_ =	shalt  }
0x59: {  	_ =	shalt  }
0x5a: {  	_ =	shalt  }
0x5b: {  	_ =	shalt  }
0x5c: {  	_ =	shalt  }
0x5d: {  	_ =	shalt  }
0x5e: {  	_ =	shalt  }
0x5f: {  	_ =	shalt  }
0x60: {  	_ =	shalt  }
0x61: {  	_ =	shalt  }
0x62: {  	_ =	shalt  }
0x63: {  	_ =	shalt  }
0x64: {  	_ =	shalt  }
0x65: {  	_ =	shalt  }
0x66: {  	_ =	shalt  }
0x67: {  	_ =	shalt  }
0x68: {  	_ =	shalt  }
0x69: {  	_ =	shalt  }
0x6a: {  	_ =	shalt  }
0x6b: {  	_ =	shalt  }
0x6c: {  	_ =	shalt  }
0x6d: {  	_ =	shalt  }
0x6e: {  	_ =	shalt  }
0x6f: {  	_ =	shalt  }
0x70: {  	_ =	shalt  }
0x71: {  	_ =	shalt  }
0x72: {  	_ =	shalt  }
0x73: {  	_ =	shalt  }
0x74: {  	_ =	shalt  }
0x75: {  	_ =	shalt  }
0x76: {  	_ =	shalt  }
0x77: {  	_ =	shalt  }
0x78: {  	_ =	shalt  }
0x79: {  	_ =	shalt  }
0x7a: {  	_ =	shalt  }
0x7b: {  	_ =	shalt  }
0x7c: {  	_ =	shalt  }
0x7d: {  	_ =	shalt  }
0x7e: {  	_ =	shalt  }
0x7f: {  	_ =	shalt  }
0x80: {  	_ =	shalt  }
0x81: {  	_ =	shalt  }
0x82: {  	_ =	shalt  }
0x83: {  	_ =	shalt  }
0x84: {  	_ =	shalt  }
0x85: {  	_ =	shalt  }
0x86: {  	_ =	shalt  }
0x87: {  	_ =	shalt  }
.Lfunc_end0:
.L_simem_size_0:
called_computation.3_lowered:
.L_overlay_start_0:
0x88: {  	s2 =	sld [smem:$0x3FD9]  }
0x89: {  	s3 =	sld [smem:$0x3FFE];
	_ =	sdelay $0x1  }
0x8a: {  	s1 =	srdreg.scid  }
0x8b: {  	s0 =	sand.u32 $0x1, s1  }
0x8c: {  	s16 =	sshll.u32 s0, $0xA;
	s2 =	sadd.s32 s3, s2  }
0x8d: {  	s2 =	sadd.s32 s2, s16  }
0x8e: {  	[smem:$0x3FBC] =	sst s2  }
0x8f: {  	_ = 	snop  }
0x90: {  	(tm) =	ssettm $0x1  }
0x91: {  	s17 =	sld [smem:$0x3FFB];
	_ =	sdelay $0x3  }
0x92: {  	_ =	strace s17  }
0x93: {  	s2 =	sld [smem:$0x3FFC];
	_ =	sdelay $0x3  }
0x94: {  	_ =	strace s2  }
0x95: {  	s2 =	sld [smem:$0x3FFD];
	_ =	sdelay $0x3  }
0x96: {  	_ =	strace s2  }
0x97: {  	_ =	strace $0x8FFFFFFF  }
0x98: {  	s18 =	sld [smem:$0x3FDB];
	_ =	sdelay $0x1  }
0x99: {  	s19 =	simm.s32 $_scs_section_size  }
0x9a: {  	s4 =	simm.s32 $_size__tile_overlayer_lowered;
	s5 =	simm.s32 $_tile_overlayer_lowered  }
0x9b: {  	s22 =	simm.s32 $0x1BFF;
	s21 =	sshll.u32 s5, $0x1;
	s2 =	sadd.s32 s19, s18  }
0x9c: {  	s6 =	simm.s32 $0x0;
	s20 =	sshll.u32 s4, $0x1;
	s4 =	sadd.s32 s21, s2  }
0x9d: {  	[timem:s6], [sflag:s22] =	dma.local [hbm:s4], s20  }
0x9e: {  	_ =	swait.ge [sflag:s22], s20  }
0x9f: {  	s3 =	ssub.s32 $0x0, s20;
	[sflag:s22] =	ssyncset.done $0x0  }
0xa0: {  	[sflag:s22] =	ssyncadd.s32 s3;
	_ =	sdelay $0x1  }
0xa1: {  	s23 =	simm.s32 $0x1B8B  }
0xa2: {  	_ =	swait.ge [sflag:s23], $0x1  }
0xa3: {  	[sflag:s23] =	ssyncset.done $0x0  }
0xa4: {  	s25 =	simm.s32 $0x1B8E;
	s24 =	sld [smem:$0x3FFE];
	[sflag:s23] =	ssyncadd.s32 $0xFFFFFFFF  }
0xa5: {  	s26 =	simm.s32 $execute0_lowered;
	[smem:$0x3FD2] =	sst s25  }
0xa6: {  	s4 =	sshll.u32 s26, $0x1;
	_ =	strace $0x8000004F;
	[dreg:$0x1] =	wrdreg $0xFFFFFFFF  }
0xa7: {  	s28 =	simm.s32 $_size_execute0_lowered;
	s2 =	sadd.s32 s2, s4;
	[dreg:$0x0] =	wrdreg $0x0  }
0xa8: {  	s4 =	sshll.u32 s28, $0x1;
	[dreg:$0x2] =	wrdreg s2  }
0xa9: {  	[dreg:$0x3] =	wrdreg s4  }
0xaa: {  	[dreg:$0x4] =	wrdreg $0xC0  }
0xab: {  	_ =	task [dreg:s6], $0x5FFFF  }
0xac: {  	[dreg:$0x1] =	wrdreg $0xFFFFFFFF  }
0xad: {  	[dreg:$0x0] =	wrdreg $0x60  }
0xae: {  	[dreg:$0x2] =	wrdreg s24  }
0xaf: {  	[dreg:$0x3] =	wrdreg $0x9  }
0xb0: {  	_ =	task.clear_ibuf [dreg:s6], $0x4FFFF;
	_ =	strace $0x9000004F  }
0xb1: {  	s29 =	simm.s32 $0x9;
	_ =	strace $0x80000051  }
0xb2: {  	_ =	swait.ge [sflag:s29], $0x1  }
0xb3: {  	[sflag:s29] =	ssyncadd.s32 $0xFFFFFFFF  }
0xb4: {  	_ =	strace $0x90000051  }
0xb5: {  	_ =	sfence  }
0xb6: {  	s30 =	sld [smem:$0x0];
	_ =	sdelay $0x2  }
0xb7: {  	s31 =	sshll.u32 s1, $0xD;
	s1 =	sshrl.u32 s1, $0x2  }
0xb8: {  	s3 =	sand.u32 $0x4000, s31;
	s1 =	sadd.s32 s1, s30  }
0xb9: {  	s0 =	sor.u32 s3, s0;
	s1 =	sshll.u32 s1, $0x11  }
0xba: {  	s0 =	sor.u32 s1, s0  }
0xbb: {  	s0 =	sadd.s32 $0x8F2B, s0  }
0xbc: {  	[sflag:s0] =	ssyncadd.remote.s32 $0x1  }
0xbd: {  	_ =	sfence.sel $0xFFFF  }
0xbe: {  	[dreg:$0x0] =	wrdreg $0xFFFFFFFF;
	(pc) =	sbr.abs _section_cstart, $3  }
0xbf: {  	[dreg:$0x1] =	wrdreg $0xFFFFFFFF  }
0xc0: {  	_ =	task.clear_ibuf [dreg:s6], $0x2FFFF;
	_ =	strace $0x9FFFFFFF  }
0xc1: {  	(tm) =	ssettm $0x7FFFFFFF  }
tec
execute0_lowered:
.L_overlay_start_1:
0x0: {  	(tag) =	ssettag $0x1  }
0x1: {  	s4 =	rddreg [dreg:$0x0]  }
0x2: {  	s0 =	rddreg [dreg:$0x1];
	s2 =	simm.s32 $0x0;
	s3 =	srdreg.scid  }
0x3: {  	s1 =	stileid.u32;
	s16 =	simm.s32 $0x6000;
	s17 =	simm.s32 $0x1  }
0x4: {  	s18 =	simm.s32 $0x2;
	s19 =	simm.s32 $0x80;
	s20 =	simm.s32 $0xA000  }
0x5: {  	s21 =	simm.s32 $0xE000;
	s22 =	simm.s32 $0x3;
	s23 =	simm.s32 $0x4  }
0x6: {  	s24 =	simm.s32 $0x0;
	[smem:$0x7FF] =	sst s2;
	s9 =	sand.u32 $0x1, s3  }
0x7: {  	s28 =	sshll.u32 s1, $0x1;
	s3 =	sadd.s32 $0xAA00, s4;
	s12 =	smul.u32 $0xC8000, s1  }
0x8: {  	s10 =	sadd.s32 $0x58C00, s4;
	s11 =	sadd.s32 $0x1E8C00, s4;
	s14 =	smul.u32 $0x19000, s1  }
0x9: {  	_ =	strace $0x80000050;
	s5 =	sor.u32 s9, s28;
	s13 =	smul.u32 $0x64000, s9  }
0xa: {  	s7 =	ssub.s32 $0x2, s9;
	s30 =	smul.u32 $0xC800, s9;
	s6 =	sshll.u32 s5, $0x9  }
0xb: {  	s8 =	sshrl.u32 s7, $0x1;
	s5 =	smul.u32 $0x64000, s5;
	s15 =	sadd.s32 s14, s10  }
0xc: {  	s14 =	sadd.s32 s14, s11;
	s6 =	sadd.s32 s6, s4;
	s8 =	ssub.s32 s7, s8  }
0xd: {  	s12 =	sadd.s32 s13, s12;
	s31 =	sadd.s32 s30, s15;
	s13 =	sadd.s32 s30, s14  }
0xe: {  	s14 =	simm.s32 $0x1000;
	s15 =	simm.s32 $0x2000;
	s4 =	sadd.s32 $0x6A00, s6  }
0xf: {  	s29 =	sshrl.u32 s5, $0x3;
	s5 =	sadd.s32 $0x2A00, s6;
	s12 =	sshrl.u32 s12, $0x3  }
0x10: {  	s8 =	smax.u32 s8, $0x1;
	s7 =	sadd.s32 $0xC000, s29;
	s9 =	sadd.s32 s12, s11  }
0x11: {  	s6 =	sadd.s32 s10, s7;
	s7 =	sadd.s32 s11, s7;
	s10 =	sadd.s32 s12, s10  }
0x12: {  	s11 =	sadd.s32 $0x800, s31;
	s12 =	sadd.s32 $0x800, s13;
	s13 =	simm.s32 $0x5  }
.LBB2_1:
0x13: {  	[tilespmem:s2], [sflag:$0x5] =	stream.linear.gather [hbm4b:s4+s2], $0xC80, $0x38;
	[tilespmem:$0x12000] =	vst v63  }
0x14: {  	_ =	swait.ge [sflag:s13], $0xC80  }
0x15: {  	[sflag:s13] =	ssyncset.done $0x0  }
0x16: {  	[sflag:s13] =	ssyncadd.s32 $0xFFFFF380  }
0x17: {  	[tilespmem:s14], [sflag:$0x5] =	stream.linear.gather [hbm4b:s5+s2], $0xC80, $0x38;
	[tilespmem:$0x12000] =	vst v63  }
0x18: {  	_ =	swait.ge [sflag:s13], $0xC80  }
0x19: {  	[sflag:s13] =	ssyncset.done $0x0  }
0x1a: {  	[sflag:s13] =	ssyncadd.s32 $0xFFFFF380  }
0x1b: {  	[tilespmem:s15], [sflag:$0x1] =	stream.indirect.gather [hbm4b:s3+s19], $0x80, s2, s19, $0xb8;
	[tilespmem:$0x12000] =	vst v63  }
0x1c: {  	_ = 	snop  }
0x1d: {  	[tilespmem:s16], [sflag:$0x2] =	stream.indirect.gather [hbm4b:s3+s19], $0x80, s14, s19, $0xb8;
	[tilespmem:$0x12000] =	vst v63  }
0x1e: {  	_ =	swait.ge [sflag:s17], $0x4000  }
0x1f: {  	[sflag:s17] =	ssyncset.done $0x0  }
0x20: {  	[sflag:s17] =	ssyncadd.s32 $0xFFFFC000  }
0x21: {  	_ =	swait.ge [sflag:s18], $0x4000  }
0x22: {  	[sflag:s18] =	ssyncset.done $0x0  }
0x23: {  	[sflag:s18] =	ssyncadd.s32 $0xFFFFC000  }
0x24: {  	[tilespmem:s20], [sflag:$0x3] =	stream.indirect.gather [hbm4b:s3+s19], $0x80, s19, s19, $0xb8;
	[tilespmem:$0x12000] =	vst v63  }
0x25: {  	s25 =	simm.s32 $0x1080  }
0x26: {  	[tilespmem:s21], [sflag:$0x4] =	stream.indirect.gather [hbm4b:s3+s19], $0x80, s25, s19, $0xb8;
	[tilespmem:$0x12000] =	vst v63  }
0x27: {  	s26 =	sadd.s32 $0x0, s10  }
0x28: {  	[hbm4b:s26+s2] =	stream.linear.scatter [tilespmem:s15], [sflag:$0x5], $0x4000, $0x38;
	[tilespmem:$0x12000] =	vst v63  }
0x29: {  	_ =	swait.ge [sflag:s13], $0x4000  }
0x2a: {  	[sflag:s13] =	ssyncset.done $0x0  }
0x2b: {  	s30 =	sadd.s32 $0x0, s9;
	[sflag:s13] =	ssyncadd.s32 $0xFFFFC000  }
0x2c: {  	[hbm4b:s30+s2] =	stream.linear.scatter [tilespmem:s16], [sflag:$0x5], $0x4000, $0x38;
	[tilespmem:$0x12000] =	vst v63  }
0x2d: {  	_ =	swait.ge [sflag:s13], $0x4000  }
0x2e: {  	[sflag:s13] =	ssyncset.done $0x0  }
0x2f: {  	[sflag:s13] =	ssyncadd.s32 $0xFFFFC000  }
0x30: {  	_ =	swait.ge [sflag:s22], $0x4000  }
0x31: {  	[sflag:s22] =	ssyncset.done $0x0  }
0x32: {  	[sflag:s22] =	ssyncadd.s32 $0xFFFFC000  }
0x33: {  	_ =	swait.ge [sflag:s23], $0x4000  }
0x34: {  	[sflag:s23] =	ssyncset.done $0x0  }
0x35: {  	s31 =	simm.s32 $0x100;
	[sflag:s23] =	ssyncadd.s32 $0xFFFFC000  }
0x36: {  	[tilespmem:s15], [sflag:$0x1] =	stream.indirect.gather [hbm4b:s3+s19], $0x80, s31, s19, $0xb8;
	[tilespmem:$0x12000] =	vst v63  }
0x37: {  	s29 =	simm.s32 $0x1100  }
0x38: {  	[tilespmem:s16], [sflag:$0x2] =	stream.indirect.gather [hbm4b:s3+s19], $0x80, s29, s19, $0xb8;
	[tilespmem:$0x12000] =	vst v63  }
0x39: {  	s30 =	sadd.s32 $0x0, s11  }
0x3a: {  	[hbm4b:s30+s2] =	stream.linear.scatter [tilespmem:s20], [sflag:$0x5], $0x4000, $0x38;
	[tilespmem:$0x12000] =	vst v63  }
0x3b: {  	_ =	swait.ge [sflag:s13], $0x4000  }
0x3c: {  	[sflag:s13] =	ssyncset.done $0x0  }
0x3d: {  	s31 =	sadd.s32 $0x0, s12;
	[sflag:s13] =	ssyncadd.s32 $0xFFFFC000  }
0x3e: {  	[hbm4b:s31+s2] =	stream.linear.scatter [tilespmem:s21], [sflag:$0x5], $0x4000, $0x38;
	[tilespmem:$0x12000] =	vst v63  }
0x3f: {  	_ =	swait.ge [sflag:s13], $0x4000  }
0x40: {  	s28 =	simm.s32 $0x80;
	s26 =	simm.s32 $0x1000;
	[sflag:s13] =	ssyncset.done $0x0  }
.LBB2_2:
0x41: {  	[sflag:s13] =	ssyncadd.s32 $0xFFFFC000  }
0x42: {  	s25 =	sadd.s32 $0x100, s25;
	s28 =	sadd.s32 $0x100, s28;
	s29 =	smov.u32 s26  }
0x43: {  	p0 =	sne.s32 s26, $0xB000;
	s26 =	sadd.s32 $0x1000, s26;
	_ =	swait.ge [sflag:s17], $0x4000  }
0x44: {  	[sflag:s17] =	ssyncset.done $0x0  }
0x45: {  	[sflag:s17] =	ssyncadd.s32 $0xFFFFC000  }
0x46: {  	_ =	swait.ge [sflag:s18], $0x4000  }
0x47: {  	[sflag:s18] =	ssyncset.done $0x0  }
0x48: {  	[sflag:s18] =	ssyncadd.s32 $0xFFFFC000  }
0x49: {  	[tilespmem:s20], [sflag:$0x3] =	stream.indirect.gather [hbm4b:s3+s19], $0x80, s28, s19, $0xb8;
	[tilespmem:$0x12000] =	vst v63  }
0x4a: {  	_ = 	snop  }
0x4b: {  	[tilespmem:s21], [sflag:$0x4] =	stream.indirect.gather [hbm4b:s3+s19], $0x80, s25, s19, $0xb8;
	[tilespmem:$0x12000] =	vst v63  }
0x4c: {  	s30 =	sadd.s32 s29, s10  }
0x4d: {  	[hbm4b:s30+s2] =	stream.linear.scatter [tilespmem:s15], [sflag:$0x5], $0x4000, $0x38;
	[tilespmem:$0x12000] =	vst v63  }
0x4e: {  	_ =	swait.ge [sflag:s13], $0x4000  }
0x4f: {  	[sflag:s13] =	ssyncset.done $0x0  }
0x50: {  	s30 =	sadd.s32 s29, s9;
	[sflag:s13] =	ssyncadd.s32 $0xFFFFC000  }
0x51: {  	[hbm4b:s30+s2] =	stream.linear.scatter [tilespmem:s16], [sflag:$0x5], $0x4000, $0x38;
	[tilespmem:$0x12000] =	vst v63  }
0x52: {  	_ =	swait.ge [sflag:s13], $0x4000  }
0x53: {  	[sflag:s13] =	ssyncset.done $0x0  }
0x54: {  	[sflag:s13] =	ssyncadd.s32 $0xFFFFC000  }
0x55: {  	_ =	swait.ge [sflag:s22], $0x4000  }
0x56: {  	[sflag:s22] =	ssyncset.done $0x0  }
0x57: {  	[sflag:s22] =	ssyncadd.s32 $0xFFFFC000  }
0x58: {  	_ =	swait.ge [sflag:s23], $0x4000  }
0x59: {  	[sflag:s23] =	ssyncset.done $0x0  }
0x5a: {  	s30 =	sadd.s32 $0x80, s28;
	[sflag:s23] =	ssyncadd.s32 $0xFFFFC000  }
0x5b: {  	[tilespmem:s15], [sflag:$0x1] =	stream.indirect.gather [hbm4b:s3+s19], $0x80, s30, s19, $0xb8;
	[tilespmem:$0x12000] =	vst v63  }
0x5c: {  	s30 =	sadd.s32 $0x80, s25  }
0x5d: {  	[tilespmem:s16], [sflag:$0x2] =	stream.indirect.gather [hbm4b:s3+s19], $0x80, s30, s19, $0xb8;
	[tilespmem:$0x12000] =	vst v63  }
0x5e: {  	s30 =	sadd.s32 s29, s11  }
0x5f: {  	[hbm4b:s30+s2] =	stream.linear.scatter [tilespmem:s20], [sflag:$0x5], $0x4000, $0x38;
	[tilespmem:$0x12000] =	vst v63  }
0x60: {  	_ =	swait.ge [sflag:s13], $0x4000  }
.Ltmp0:
0x61: {  	[sflag:s13] =	ssyncset.done $0x0;
	(pc) =	sbr.rel @p0 .LBB2_2-.Ltmp0, $4  }
0x62: {  	s29 =	sadd.s32 s29, s12;
	[sflag:s13] =	ssyncadd.s32 $0xFFFFC000  }
0x63: {  	[hbm4b:s29+s2] =	stream.linear.scatter [tilespmem:s21], [sflag:$0x5], $0x4000, $0x38;
	[tilespmem:$0x12000] =	vst v63  }
0x64: {  	_ =	swait.ge [sflag:s13], $0x4000  }
0x65: {  	[sflag:s13] =	ssyncset.done $0x0  }
0x66: {  	[sflag:s13] =	ssyncadd.s32 $0xFFFFC000  }
0x67: {  	_ =	swait.ge [sflag:s17], $0x4000  }
0x68: {  	[sflag:s17] =	ssyncset.done $0x0  }
0x69: {  	[sflag:s17] =	ssyncadd.s32 $0xFFFFC000  }
0x6a: {  	_ =	swait.ge [sflag:s18], $0x4000  }
0x6b: {  	[sflag:s18] =	ssyncset.done $0x0  }
0x6c: {  	[sflag:s18] =	ssyncadd.s32 $0xFFFFC000  }
0x6d: {  	[hbm4b:s6+s2] =	stream.linear.scatter [tilespmem:s15], [sflag:$0x5], $0x4000, $0x38;
	[tilespmem:$0x12000] =	vst v63  }
0x6e: {  	s24 =	sadd.s32 $0x1, s24;
	_ =	swait.ge [sflag:s13], $0x4000  }
0x6f: {  	p0 =	sne.s32 s24, s8;
	[sflag:s13] =	ssyncset.done $0x0  }
.Ltmp1:
0x70: {  	[sflag:s13] =	ssyncadd.s32 $0xFFFFC000;
	(pc) =	sbr.rel @p0 .LBB2_1-.Ltmp1, $4  }
0x71: {  	[hbm4b:s7+s2] =	stream.linear.scatter [tilespmem:s16], [sflag:$0x5], $0x4000, $0x38;
	[tilespmem:$0x12000] =	vst v63  }
0x72: {  	_ =	swait.ge [sflag:s13], $0x4000  }
0x73: {  	[sflag:s13] =	ssyncset.done $0x0  }
0x74: {  	[sflag:s13] =	ssyncadd.s32 $0xFFFFC000  }
0x75: {  	_ =	sfence.sel $0x180000  }
0x76: {  	[bflag:$0x0] =	sbarrier.arrive $0xFFFF  }
0x77: {  	p0 =	sne.s32 s1, $0x0;
	_ =	strace $0x90000050  }
0x78: {  	s0 =	sadd.s32 @!p0 $0x100000, s0;
	[bflag:$0x2] =	sbarrier.arrive $0xFFFF  }
0x79: {  	[sflag:s0] =	ssyncadd.tile.s32 @!p0 $0x1;
	_ =	shalt  }
.Lfunc_end2:
_tile_overlayer_lowered:
.L_overlay_start_2:
0x7a: {  	(tag) =	ssettag $0x2  }
0x7b: {  	s0 =	rddreg [dreg:$0x0];
	s2 =	stileid.u32  }
0x7c: {  	s1 =	rddreg [dreg:$0x1];
	p0 =	sne.s32 s2, $0x0  }
0x7d: {  	s3 =	rddreg [dreg:$0x2];
	[bflag:$0x3] =	sbarrier.arrive $0xFFFF;
	s2 =	simm.s32 @!p0 $0x1C05  }
0x7e: {  	[timem:s3], [sflag:s2] =	dma.local @!p0 [hbm:s0], s1  }
0x7f: {  	s0 =	simm.s32 @!p0 $0x5  }
0x80: {  	_ =	swait.ge @!p0 [sflag:s0], s1  }
0x81: {  	s1 =	ssub.s32 @!p0 $0x0, s1;
	[sflag:s0] =	ssyncset.done @!p0 $0x0  }
0x82: {  	[sflag:s0] =	ssyncadd.s32 @!p0 s1  }
0x83: {  	[bflag:$0x3] =	sbarrier.arrive $0xFFFF  }
0x84: {  	_ =	shalt  }

</sc_bundles>
